<compile_context>
chip_gen: v7x
topology: tpu7x:2x2x1
jax: 0.10.2.dev20260603
libtpu: 0.0.44.dev20260713+nightly
codegen_flags: <defaults>
</compile_context>

<pallas_src>
import functools

import jax
import jax.numpy as jnp
from jax import lax
from jax.experimental import pallas as pl
from jax.experimental.pallas import tpu as pltpu
from jax.experimental.pallas import tpu_sc as plsc

_TIME_STEPS = 1000
_EMBED_DIM = 128
_BATCH = 16384


def _make_sc_gather(batch, dim, vocab, chunk=64):
    info = plsc.get_sparse_core_info()
    nc, ns = info.num_cores, info.num_subcores
    nw = nc * ns
    assert batch % (8 * nw) == 0
    b_per_w = batch // nw
    assert b_per_w % chunk == 0
    n_chunks = b_per_w // chunk
    stage_tiles = 5
    rows_per_stager = vocab // stage_tiles
    assert vocab % stage_tiles == 0 and rows_per_stager % 8 == 0

    mesh = plsc.VectorSubcoreMesh(core_axis_name="c", subcore_axis_name="s")

    @functools.partial(
        pl.kernel,
        mesh=mesh,
        out_type=jax.ShapeDtypeStruct((batch, dim), jnp.float32),
        scratch_types=[
            pltpu.VMEM((b_per_w,), jnp.int32),
            pltpu.VMEM((b_per_w, dim), jnp.float32),
            pltpu.VMEM_SHARED((vocab, dim), jnp.float32),
        ]
        + [pltpu.SemaphoreType.DMA] * (n_chunks + 2),
    )
    def emb_kernel(idx_hbm, table_hbm, out_hbm, idx_v, rows_v, table_sp, *sems):
        tsem = sems[0]
        gsems = sems[1 : 1 + n_chunks]
        ssem = sems[1 + n_chunks]
        sid = lax.axis_index("s")
        wid = sid * nc + lax.axis_index("c")
        base = wid * b_per_w

        @pl.when(sid < stage_tiles)
        def _():
            pltpu.async_copy(
                table_hbm.at[pl.ds(sid * rows_per_stager, rows_per_stager)],
                table_sp.at[pl.ds(sid * rows_per_stager, rows_per_stager)],
                tsem,
            )

        pltpu.sync_copy(idx_hbm.at[pl.ds(base, b_per_w)], idx_v)

        @pl.when(sid < stage_tiles)
        def _():
            pltpu.make_async_copy(
                table_hbm.at[pl.ds(sid * rows_per_stager, rows_per_stager)],
                table_sp.at[pl.ds(sid * rows_per_stager, rows_per_stager)],
                tsem,
            ).wait()

        plsc.subcore_barrier()
        gathers = []
        for c in range(n_chunks):
            gathers.append(
                pltpu.async_copy(
                    table_sp.at[idx_v.at[pl.ds(c * chunk, chunk)]],
                    rows_v.at[pl.ds(c * chunk, chunk)],
                    gsems[c],
                )
            )
        stores = []
        for c in range(n_chunks):
            gathers[c].wait()
            stores.append(
                pltpu.async_copy(
                    rows_v.at[pl.ds(c * chunk, chunk)],
                    out_hbm.at[pl.ds(base + c * chunk, chunk)],
                    ssem,
                )
            )
        for s in stores:
            s.wait()

    return emb_kernel


def kernel(x, table):
    emb = _make_sc_gather(_BATCH, _EMBED_DIM, _TIME_STEPS)
    return emb(x.astype(jnp.int32), table)

# --- scband reference (transcript-rebuilt; emitter-appended) ---
"""Pipeline reference for scband-timestep-embedding-20547123544220 (READ-ONLY COPY).

The authoritative reference and input builder live on the scoring server;
editing this copy changes nothing except your own understanding.
"""

import jax, jax.numpy as jnp
import numpy as np

TIME_STEPS = 1000
EMBED_DIM = 128
BATCH = 16384

def setup_inputs(seed: int = 0) -> dict:
    key = jax.random.key(seed)
    k_idx, k_tab = jax.random.split(key)
    x = jax.random.randint(k_idx, (BATCH,), 0, TIME_STEPS, dtype=jnp.int64 if jax.config.jax_enable_x64 else jnp.int32)
    table = jax.random.normal(k_tab, (TIME_STEPS, EMBED_DIM), dtype=jnp.float32)
    return {"x": x, "table": table}

def reference(x, table):
    # nn.Embedding(time_steps, embed_dim): simple row gather from the table
    return jnp.take(table, x, axis=0)

if __name__ == "__main__":
    import jax
    _d = setup_inputs()
    print(jax.jit(kernel)(*tuple(_d.values())))

</pallas_src>

<mosaic_0001>
#map = affine_map<(d0, d1) -> (0)>
#map1 = affine_map<(d0, d1) -> (0, 0)>
module attributes {stable_mosaic.version = 14 : i64} {
  func.func @emb_kernel(%arg0: i32, %arg1: i32, %arg2: memref<16384xi32, #tpu.memory_space<hbm>>, %arg3: memref<1000x128xf32, #tpu.memory_space<hbm>>, %arg4: memref<16384x128xf32, #tpu.memory_space<hbm>>, %arg5: memref<512xi32, #tpu.memory_space<vmem>>, %arg6: memref<512x128xf32, #tpu.memory_space<vmem>>, %arg7: memref<1000x128xf32, #tpu.memory_space<vmem_shared>>, %arg8: memref<!tpu.dma_semaphore, #tpu.memory_space<semaphore_mem>>, %arg9: memref<!tpu.dma_semaphore, #tpu.memory_space<semaphore_mem>>, %arg10: memref<!tpu.dma_semaphore, #tpu.memory_space<semaphore_mem>>, %arg11: memref<!tpu.dma_semaphore, #tpu.memory_space<semaphore_mem>>, %arg12: memref<!tpu.dma_semaphore, #tpu.memory_space<semaphore_mem>>, %arg13: memref<!tpu.dma_semaphore, #tpu.memory_space<semaphore_mem>>, %arg14: memref<!tpu.dma_semaphore, #tpu.memory_space<semaphore_mem>>, %arg15: memref<!tpu.dma_semaphore, #tpu.memory_space<semaphore_mem>>, %arg16: memref<!tpu.dma_semaphore, #tpu.memory_space<semaphore_mem>>, %arg17: memref<!tpu.dma_semaphore, #tpu.memory_space<semaphore_mem>>) attributes {dimension_semantics = [#tpu.dimension_semantics<core_parallel>, #tpu.dimension_semantics<subcore_parallel>], iteration_bounds = array<i64: 2, 16>, scalar_prefetch = 0 : i64, scratch_operands = 13 : i64, tpu.core_type = #tpu.core_type<sc_vector_subcore>, window_params = [{transform_indices = #map}, {transform_indices = #map1}, {transform_indices = #map1}]} {
    %mul3A = arith.constant 2 : i32
    %mul3A_0 = arith.muli %arg1, %mul3A : i32
    %add3A = arith.addi %mul3A_0, %arg0 : i32
    %mul3A_1 = arith.constant 512 : i32
    %mul3A_2 = arith.muli %add3A, %mul3A_1 : i32
    %lt3A = arith.constant 5 : i32
    %lt3A_3 = arith.cmpi slt, %arg1, %lt3A : i32
    %convert_element_type3A = arith.extui %lt3A_3 : i1 to i32
    %cond3A = arith.constant 0 : i32
    %cond3A_4 = arith.cmpi ne, %convert_element_type3A, %cond3A : i32
    scf.if %cond3A_4 {
      %mul3A_312 = arith.constant 200 : i32
      %mul3A_313 = arith.muli %arg1, %mul3A_312 : i32
      %mul3A_314 = arith.constant 200 : i32
      %mul3A_315 = arith.muli %arg1, %mul3A_314 : i32
      %dma_start3A_316 = arith.constant 0 : i32
      %dma_start3A_317 = tpu.memref_slice %arg7[%mul3A_315, %dma_start3A_316] : memref<1000x128xf32, #tpu.memory_space<vmem_shared>> -> memref<200x128xf32, #tpu.memory_space<vmem_shared>>
      %dma_start3A_318 = arith.constant 0 : i32
      %dma_start3A_319 = tpu.memref_slice %arg3[%mul3A_313, %dma_start3A_318] : memref<1000x128xf32, #tpu.memory_space<hbm>> -> memref<200x128xf32, #tpu.memory_space<hbm>>
      tpu.enqueue_dma source(%dma_start3A_319 : memref<200x128xf32, #tpu.memory_space<hbm>>) target(%dma_start3A_317 : memref<200x128xf32, #tpu.memory_space<vmem_shared>>) target_semaphore(%arg8 : memref<!tpu.dma_semaphore, #tpu.memory_space<semaphore_mem>>)
    } else {
    }
    "tpu.region"() ({
      %run_scoped3A = tpu.sem_alloc : memref<!tpu.dma_semaphore, #tpu.memory_space<semaphore_mem>>
      %dma_start3A_312 = tpu.memref_slice %arg2[%mul3A_2] : memref<16384xi32, #tpu.memory_space<hbm>> -> memref<512xi32, #tpu.memory_space<hbm>>
      %dma_start3A_313 = tpu.memref_slice %arg2[%mul3A_2] : memref<16384xi32, #tpu.memory_space<hbm>> -> memref<512xi32, #tpu.memory_space<hbm>>
      tpu.enqueue_dma source(%dma_start3A_313 : memref<512xi32, #tpu.memory_space<hbm>>) target(%arg5 : memref<512xi32, #tpu.memory_space<vmem>>) target_semaphore(%run_scoped3A : memref<!tpu.dma_semaphore, #tpu.memory_space<semaphore_mem>>)
      %dma_wait3A_314 = tpu.memref_slice %arg2[%mul3A_2] : memref<16384xi32, #tpu.memory_space<hbm>> -> memref<512xi32, #tpu.memory_space<hbm>>
      %dma_wait3A_315 = tpu.memref_slice %arg2[%mul3A_2] : memref<16384xi32, #tpu.memory_space<hbm>> -> memref<512xi32, #tpu.memory_space<hbm>>
      tpu.wait_dma2 semaphore(%run_scoped3A : memref<!tpu.dma_semaphore, #tpu.memory_space<semaphore_mem>>) src(%dma_wait3A_315 : memref<512xi32, #tpu.memory_space<hbm>>) dst(%arg5 : memref<512xi32, #tpu.memory_space<vmem>>)
      tpu.yield
    }) : () -> ()
    %lt3A_5 = arith.constant 5 : i32
    %lt3A_6 = arith.cmpi slt, %arg1, %lt3A_5 : i32
    %convert_element_type3A_7 = arith.extui %lt3A_6 : i1 to i32
    %cond3A_8 = arith.constant 0 : i32
    %cond3A_9 = arith.cmpi ne, %convert_element_type3A_7, %cond3A_8 : i32
    scf.if %cond3A_9 {
      %mul3A_312 = arith.constant 200 : i32
      %mul3A_313 = arith.muli %arg1, %mul3A_312 : i32
      %mul3A_314 = arith.constant 200 : i32
      %mul3A_315 = arith.muli %arg1, %mul3A_314 : i32
      %dma_wait3A_316 = arith.constant 0 : i32
      %dma_wait3A_317 = tpu.memref_slice %arg7[%mul3A_315, %dma_wait3A_316] : memref<1000x128xf32, #tpu.memory_space<vmem_shared>> -> memref<200x128xf32, #tpu.memory_space<vmem_shared>>
      %dma_wait3A_318 = arith.constant 0 : i32
      %dma_wait3A_319 = tpu.memref_slice %arg3[%mul3A_313, %dma_wait3A_318] : memref<1000x128xf32, #tpu.memory_space<hbm>> -> memref<200x128xf32, #tpu.memory_space<hbm>>
      tpu.wait_dma2 semaphore(%arg8 : memref<!tpu.dma_semaphore, #tpu.memory_space<semaphore_mem>>) src(%dma_wait3A_319 : memref<200x128xf32, #tpu.memory_space<hbm>>) dst(%dma_wait3A_317 : memref<200x128xf32, #tpu.memory_space<vmem_shared>>)
    } else {
    }
    %barrier3A = arith.constant 0 : index
    tpu.barrier barrier_id(%barrier3A)
    %dma_start3A = arith.constant 0 : i32
    %dma_start3A_10 = arith.constant 0 : i32
    %dma_start3A_11 = tpu.memref_slice %arg6[%dma_start3A, %dma_start3A_10] : memref<512x128xf32, #tpu.memory_space<vmem>> -> memref<64x128xf32, #tpu.memory_space<vmem>>
    %dma_start3A_12 = arith.constant 0 : i32
    %dma_start3A_13 = tpu.memref_slice %arg5[%dma_start3A_12] : memref<512xi32, #tpu.memory_space<vmem>> -> memref<64xi32, #tpu.memory_space<vmem>>
    %dma_start3A_14 = arith.constant 0 : i32
    %dma_start3A_15 = arith.constant 0 : i32
    %dma_start3A_16 = tpu.memref_slice %arg7[%dma_start3A_14, %dma_start3A_15] : memref<1000x128xf32, #tpu.memory_space<vmem_shared>> -> memref<1000x128xf32, #tpu.memory_space<vmem_shared>>
    tpu.enqueue_indirect_dma source(%dma_start3A_16 : memref<1000x128xf32, #tpu.memory_space<vmem_shared>>) target(%dma_start3A_11 : memref<64x128xf32, #tpu.memory_space<vmem>>) offsets(%dma_start3A_13 : memref<64xi32, #tpu.memory_space<vmem>>) semaphore(%arg9 : memref<!tpu.dma_semaphore, #tpu.memory_space<semaphore_mem>>)
    %dma_start3A_17 = arith.constant 64 : i32
    %dma_start3A_18 = arith.constant 0 : i32
    %dma_start3A_19 = tpu.memref_slice %arg6[%dma_start3A_17, %dma_start3A_18] : memref<512x128xf32, #tpu.memory_space<vmem>> -> memref<64x128xf32, #tpu.memory_space<vmem>>
    %dma_start3A_20 = arith.constant 64 : i32
    %dma_start3A_21 = tpu.memref_slice %arg5[%dma_start3A_20] : memref<512xi32, #tpu.memory_space<vmem>> -> memref<64xi32, #tpu.memory_space<vmem>>
    %dma_start3A_22 = arith.constant 0 : i32
    %dma_start3A_23 = arith.constant 0 : i32
    %dma_start3A_24 = tpu.memref_slice %arg7[%dma_start3A_22, %dma_start3A_23] : memref<1000x128xf32, #tpu.memory_space<vmem_shared>> -> memref<1000x128xf32, #tpu.memory_space<vmem_shared>>
    tpu.enqueue_indirect_dma source(%dma_start3A_24 : memref<1000x128xf32, #tpu.memory_space<vmem_shared>>) target(%dma_start3A_19 : memref<64x128xf32, #tpu.memory_space<vmem>>) offsets(%dma_start3A_21 : memref<64xi32, #tpu.memory_space<vmem>>) semaphore(%arg10 : memref<!tpu.dma_semaphore, #tpu.memory_space<semaphore_mem>>)
    %dma_start3A_25 = arith.constant 128 : i32
    %dma_start3A_26 = arith.constant 0 : i32
    %dma_start3A_27 = tpu.memref_slice %arg6[%dma_start3A_25, %dma_start3A_26] : memref<512x128xf32, #tpu.memory_space<vmem>> -> memref<64x128xf32, #tpu.memory_space<vmem>>
    %dma_start3A_28 = arith.constant 128 : i32
    %dma_start3A_29 = tpu.memref_slice %arg5[%dma_start3A_28] : memref<512xi32, #tpu.memory_space<vmem>> -> memref<64xi32, #tpu.memory_space<vmem>>
    %dma_start3A_30 = arith.constant 0 : i32
    %dma_start3A_31 = arith.constant 0 : i32
    %dma_start3A_32 = tpu.memref_slice %arg7[%dma_start3A_30, %dma_start3A_31] : memref<1000x128xf32, #tpu.memory_space<vmem_shared>> -> memref<1000x128xf32, #tpu.memory_space<vmem_shared>>
    tpu.enqueue_indirect_dma source(%dma_start3A_32 : memref<1000x128xf32, #tpu.memory_space<vmem_shared>>) target(%dma_start3A_27 : memref<64x128xf32, #tpu.memory_space<vmem>>) offsets(%dma_start3A_29 : memref<64xi32, #tpu.memory_space<vmem>>) semaphore(%arg11 : memref<!tpu.dma_semaphore, #tpu.memory_space<semaphore_mem>>)
    %dma_start3A_33 = arith.constant 192 : i32
    %dma_start3A_34 = arith.constant 0 : i32
    %dma_start3A_35 = tpu.memref_slice %arg6[%dma_start3A_33, %dma_start3A_34] : memref<512x128xf32, #tpu.memory_space<vmem>> -> memref<64x128xf32, #tpu.memory_space<vmem>>
    %dma_start3A_36 = arith.constant 192 : i32
    %dma_start3A_37 = tpu.memref_slice %arg5[%dma_start3A_36] : memref<512xi32, #tpu.memory_space<vmem>> -> memref<64xi32, #tpu.memory_space<vmem>>
    %dma_start3A_38 = arith.constant 0 : i32
    %dma_start3A_39 = arith.constant 0 : i32
    %dma_start3A_40 = tpu.memref_slice %arg7[%dma_start3A_38, %dma_start3A_39] : memref<1000x128xf32, #tpu.memory_space<vmem_shared>> -> memref<1000x128xf32, #tpu.memory_space<vmem_shared>>
    tpu.enqueue_indirect_dma source(%dma_start3A_40 : memref<1000x128xf32, #tpu.memory_space<vmem_shared>>) target(%dma_start3A_35 : memref<64x128xf32, #tpu.memory_space<vmem>>) offsets(%dma_start3A_37 : memref<64xi32, #tpu.memory_space<vmem>>) semaphore(%arg12 : memref<!tpu.dma_semaphore, #tpu.memory_space<semaphore_mem>>)
    %dma_start3A_41 = arith.constant 256 : i32
    %dma_start3A_42 = arith.constant 0 : i32
    %dma_start3A_43 = tpu.memref_slice %arg6[%dma_start3A_41, %dma_start3A_42] : memref<512x128xf32, #tpu.memory_space<vmem>> -> memref<64x128xf32, #tpu.memory_space<vmem>>
    %dma_start3A_44 = arith.constant 256 : i32
    %dma_start3A_45 = tpu.memref_slice %arg5[%dma_start3A_44] : memref<512xi32, #tpu.memory_space<vmem>> -> memref<64xi32, #tpu.memory_space<vmem>>
    %dma_start3A_46 = arith.constant 0 : i32
    %dma_start3A_47 = arith.constant 0 : i32
    %dma_start3A_48 = tpu.memref_slice %arg7[%dma_start3A_46, %dma_start3A_47] : memref<1000x128xf32, #tpu.memory_space<vmem_shared>> -> memref<1000x128xf32, #tpu.memory_space<vmem_shared>>
    tpu.enqueue_indirect_dma source(%dma_start3A_48 : memref<1000x128xf32, #tpu.memory_space<vmem_shared>>) target(%dma_start3A_43 : memref<64x128xf32, #tpu.memory_space<vmem>>) offsets(%dma_start3A_45 : memref<64xi32, #tpu.memory_space<vmem>>) semaphore(%arg13 : memref<!tpu.dma_semaphore, #tpu.memory_space<semaphore_mem>>)
    %dma_start3A_49 = arith.constant 320 : i32
    %dma_start3A_50 = arith.constant 0 : i32
    %dma_start3A_51 = tpu.memref_slice %arg6[%dma_start3A_49, %dma_start3A_50] : memref<512x128xf32, #tpu.memory_space<vmem>> -> memref<64x128xf32, #tpu.memory_space<vmem>>
    %dma_start3A_52 = arith.constant 320 : i32
    %dma_start3A_53 = tpu.memref_slice %arg5[%dma_start3A_52] : memref<512xi32, #tpu.memory_space<vmem>> -> memref<64xi32, #tpu.memory_space<vmem>>
    %dma_start3A_54 = arith.constant 0 : i32
    %dma_start3A_55 = arith.constant 0 : i32
    %dma_start3A_56 = tpu.memref_slice %arg7[%dma_start3A_54, %dma_start3A_55] : memref<1000x128xf32, #tpu.memory_space<vmem_shared>> -> memref<1000x128xf32, #tpu.memory_space<vmem_shared>>
    tpu.enqueue_indirect_dma source(%dma_start3A_56 : memref<1000x128xf32, #tpu.memory_space<vmem_shared>>) target(%dma_start3A_51 : memref<64x128xf32, #tpu.memory_space<vmem>>) offsets(%dma_start3A_53 : memref<64xi32, #tpu.memory_space<vmem>>) semaphore(%arg14 : memref<!tpu.dma_semaphore, #tpu.memory_space<semaphore_mem>>)
    %dma_start3A_57 = arith.constant 384 : i32
    %dma_start3A_58 = arith.constant 0 : i32
    %dma_start3A_59 = tpu.memref_slice %arg6[%dma_start3A_57, %dma_start3A_58] : memref<512x128xf32, #tpu.memory_space<vmem>> -> memref<64x128xf32, #tpu.memory_space<vmem>>
    %dma_start3A_60 = arith.constant 384 : i32
    %dma_start3A_61 = tpu.memref_slice %arg5[%dma_start3A_60] : memref<512xi32, #tpu.memory_space<vmem>> -> memref<64xi32, #tpu.memory_space<vmem>>
    %dma_start3A_62 = arith.constant 0 : i32
    %dma_start3A_63 = arith.constant 0 : i32
    %dma_start3A_64 = tpu.memref_slice %arg7[%dma_start3A_62, %dma_start3A_63] : memref<1000x128xf32, #tpu.memory_space<vmem_shared>> -> memref<1000x128xf32, #tpu.memory_space<vmem_shared>>
    tpu.enqueue_indirect_dma source(%dma_start3A_64 : memref<1000x128xf32, #tpu.memory_space<vmem_shared>>) target(%dma_start3A_59 : memref<64x128xf32, #tpu.memory_space<vmem>>) offsets(%dma_start3A_61 : memref<64xi32, #tpu.memory_space<vmem>>) semaphore(%arg15 : memref<!tpu.dma_semaphore, #tpu.memory_space<semaphore_mem>>)
    %dma_start3A_65 = arith.constant 448 : i32
    %dma_start3A_66 = arith.constant 0 : i32
    %dma_start3A_67 = tpu.memref_slice %arg6[%dma_start3A_65, %dma_start3A_66] : memref<512x128xf32, #tpu.memory_space<vmem>> -> memref<64x128xf32, #tpu.memory_space<vmem>>
    %dma_start3A_68 = arith.constant 448 : i32
    %dma_start3A_69 = tpu.memref_slice %arg5[%dma_start3A_68] : memref<512xi32, #tpu.memory_space<vmem>> -> memref<64xi32, #tpu.memory_space<vmem>>
    %dma_start3A_70 = arith.constant 0 : i32
    %dma_start3A_71 = arith.constant 0 : i32
    %dma_start3A_72 = tpu.memref_slice %arg7[%dma_start3A_70, %dma_start3A_71] : memref<1000x128xf32, #tpu.memory_space<vmem_shared>> -> memref<1000x128xf32, #tpu.memory_space<vmem_shared>>
    tpu.enqueue_indirect_dma source(%dma_start3A_72 : memref<1000x128xf32, #tpu.memory_space<vmem_shared>>) target(%dma_start3A_67 : memref<64x128xf32, #tpu.memory_space<vmem>>) offsets(%dma_start3A_69 : memref<64xi32, #tpu.memory_space<vmem>>) semaphore(%arg16 : memref<!tpu.dma_semaphore, #tpu.memory_space<semaphore_mem>>)
    %dma_wait3A = arith.constant 0 : i32
    %dma_wait3A_73 = arith.constant 0 : i32
    %dma_wait3A_74 = tpu.memref_slice %arg6[%dma_wait3A, %dma_wait3A_73] : memref<512x128xf32, #tpu.memory_space<vmem>> -> memref<64x128xf32, #tpu.memory_space<vmem>>
    %dma_wait3A_75 = arith.constant 0 : i32
    %dma_wait3A_76 = tpu.memref_slice %arg5[%dma_wait3A_75] : memref<512xi32, #tpu.memory_space<vmem>> -> memref<64xi32, #tpu.memory_space<vmem>>
    %dma_wait3A_77 = arith.constant 0 : i32
    %dma_wait3A_78 = arith.constant 0 : i32
    %dma_wait3A_79 = tpu.memref_slice %arg7[%dma_wait3A_77, %dma_wait3A_78] : memref<1000x128xf32, #tpu.memory_space<vmem_shared>> -> memref<1000x128xf32, #tpu.memory_space<vmem_shared>>
    tpu.wait_indirect_dma semaphore(%arg9 : memref<!tpu.dma_semaphore, #tpu.memory_space<semaphore_mem>>) src(%dma_wait3A_79 : memref<1000x128xf32, #tpu.memory_space<vmem_shared>>) dst(%dma_wait3A_74 : memref<64x128xf32, #tpu.memory_space<vmem>>)
    %add3A_80 = arith.constant 0 : i32
    %add3A_81 = arith.addi %mul3A_2, %add3A_80 : i32
    %dma_start3A_82 = arith.constant 0 : i32
    %dma_start3A_83 = arith.constant 0 : i32
    %dma_start3A_84 = tpu.memref_slice %arg6[%dma_start3A_82, %dma_start3A_83] : memref<512x128xf32, #tpu.memory_space<vmem>> -> memref<64x128xf32, #tpu.memory_space<vmem>>
    %dma_start3A_85 = arith.constant 0 : i32
    %dma_start3A_86 = tpu.memref_slice %arg4[%add3A_81, %dma_start3A_85] : memref<16384x128xf32, #tpu.memory_space<hbm>> -> memref<64x128xf32, #tpu.memory_space<hbm>>
    %dma_start3A_87 = arith.constant 0 : i32
    %dma_start3A_88 = tpu.memref_slice %arg4[%add3A_81, %dma_start3A_87] : memref<16384x128xf32, #tpu.memory_space<hbm>> -> memref<64x128xf32, #tpu.memory_space<hbm>>
    %dma_start3A_89 = arith.constant 0 : i32
    %dma_start3A_90 = arith.constant 0 : i32
    %dma_start3A_91 = tpu.memref_slice %arg6[%dma_start3A_89, %dma_start3A_90] : memref<512x128xf32, #tpu.memory_space<vmem>> -> memref<64x128xf32, #tpu.memory_space<vmem>>
    tpu.enqueue_dma source(%dma_start3A_91 : memref<64x128xf32, #tpu.memory_space<vmem>>) target(%dma_start3A_88 : memref<64x128xf32, #tpu.memory_space<hbm>>) target_semaphore(%arg17 : memref<!tpu.dma_semaphore, #tpu.memory_space<semaphore_mem>>)
    %dma_wait3A_92 = arith.constant 64 : i32
    %dma_wait3A_93 = arith.constant 0 : i32
    %dma_wait3A_94 = tpu.memref_slice %arg6[%dma_wait3A_92, %dma_wait3A_93] : memref<512x128xf32, #tpu.memory_space<vmem>> -> memref<64x128xf32, #tpu.memory_space<vmem>>
    %dma_wait3A_95 = arith.constant 64 : i32
    %dma_wait3A_96 = tpu.memref_slice %arg5[%dma_wait3A_95] : memref<512xi32, #tpu.memory_space<vmem>> -> memref<64xi32, #tpu.memory_space<vmem>>
    %dma_wait3A_97 = arith.constant 0 : i32
    %dma_wait3A_98 = arith.constant 0 : i32
    %dma_wait3A_99 = tpu.memref_slice %arg7[%dma_wait3A_97, %dma_wait3A_98] : memref<1000x128xf32, #tpu.memory_space<vmem_shared>> -> memref<1000x128xf32, #tpu.memory_space<vmem_shared>>
    tpu.wait_indirect_dma semaphore(%arg10 : memref<!tpu.dma_semaphore, #tpu.memory_space<semaphore_mem>>) src(%dma_wait3A_99 : memref<1000x128xf32, #tpu.memory_space<vmem_shared>>) dst(%dma_wait3A_94 : memref<64x128xf32, #tpu.memory_space<vmem>>)
    %add3A_100 = arith.constant 64 : i32
    %add3A_101 = arith.addi %mul3A_2, %add3A_100 : i32
    %dma_start3A_102 = arith.constant 64 : i32
    %dma_start3A_103 = arith.constant 0 : i32
    %dma_start3A_104 = tpu.memref_slice %arg6[%dma_start3A_102, %dma_start3A_103] : memref<512x128xf32, #tpu.memory_space<vmem>> -> memref<64x128xf32, #tpu.memory_space<vmem>>
    %dma_start3A_105 = arith.constant 0 : i32
    %dma_start3A_106 = tpu.memref_slice %arg4[%add3A_101, %dma_start3A_105] : memref<16384x128xf32, #tpu.memory_space<hbm>> -> memref<64x128xf32, #tpu.memory_space<hbm>>
    %dma_start3A_107 = arith.constant 0 : i32
    %dma_start3A_108 = tpu.memref_slice %arg4[%add3A_101, %dma_start3A_107] : memref<16384x128xf32, #tpu.memory_space<hbm>> -> memref<64x128xf32, #tpu.memory_space<hbm>>
    %dma_start3A_109 = arith.constant 64 : i32
    %dma_start3A_110 = arith.constant 0 : i32
    %dma_start3A_111 = tpu.memref_slice %arg6[%dma_start3A_109, %dma_start3A_110] : memref<512x128xf32, #tpu.memory_space<vmem>> -> memref<64x128xf32, #tpu.memory_space<vmem>>
    tpu.enqueue_dma source(%dma_start3A_111 : memref<64x128xf32, #tpu.memory_space<vmem>>) target(%dma_start3A_108 : memref<64x128xf32, #tpu.memory_space<hbm>>) target_semaphore(%arg17 : memref<!tpu.dma_semaphore, #tpu.memory_space<semaphore_mem>>)
    %dma_wait3A_112 = arith.constant 128 : i32
    %dma_wait3A_113 = arith.constant 0 : i32
    %dma_wait3A_114 = tpu.memref_slice %arg6[%dma_wait3A_112, %dma_wait3A_113] : memref<512x128xf32, #tpu.memory_space<vmem>> -> memref<64x128xf32, #tpu.memory_space<vmem>>
    %dma_wait3A_115 = arith.constant 128 : i32
    %dma_wait3A_116 = tpu.memref_slice %arg5[%dma_wait3A_115] : memref<512xi32, #tpu.memory_space<vmem>> -> memref<64xi32, #tpu.memory_space<vmem>>
    %dma_wait3A_117 = arith.constant 0 : i32
    %dma_wait3A_118 = arith.constant 0 : i32
    %dma_wait3A_119 = tpu.memref_slice %arg7[%dma_wait3A_117, %dma_wait3A_118] : memref<1000x128xf32, #tpu.memory_space<vmem_shared>> -> memref<1000x128xf32, #tpu.memory_space<vmem_shared>>
    tpu.wait_indirect_dma semaphore(%arg11 : memref<!tpu.dma_semaphore, #tpu.memory_space<semaphore_mem>>) src(%dma_wait3A_119 : memref<1000x128xf32, #tpu.memory_space<vmem_shared>>) dst(%dma_wait3A_114 : memref<64x128xf32, #tpu.memory_space<vmem>>)
    %add3A_120 = arith.constant 128 : i32
    %add3A_121 = arith.addi %mul3A_2, %add3A_120 : i32
    %dma_start3A_122 = arith.constant 128 : i32
    %dma_start3A_123 = arith.constant 0 : i32
    %dma_start3A_124 = tpu.memref_slice %arg6[%dma_start3A_122, %dma_start3A_123] : memref<512x128xf32, #tpu.memory_space<vmem>> -> memref<64x128xf32, #tpu.memory_space<vmem>>
    %dma_start3A_125 = arith.constant 0 : i32
    %dma_start3A_126 = tpu.memref_slice %arg4[%add3A_121, %dma_start3A_125] : memref<16384x128xf32, #tpu.memory_space<hbm>> -> memref<64x128xf32, #tpu.memory_space<hbm>>
    %dma_start3A_127 = arith.constant 0 : i32
    %dma_start3A_128 = tpu.memref_slice %arg4[%add3A_121, %dma_start3A_127] : memref<16384x128xf32, #tpu.memory_space<hbm>> -> memref<64x128xf32, #tpu.memory_space<hbm>>
    %dma_start3A_129 = arith.constant 128 : i32
    %dma_start3A_130 = arith.constant 0 : i32
    %dma_start3A_131 = tpu.memref_slice %arg6[%dma_start3A_129, %dma_start3A_130] : memref<512x128xf32, #tpu.memory_space<vmem>> -> memref<64x128xf32, #tpu.memory_space<vmem>>
    tpu.enqueue_dma source(%dma_start3A_131 : memref<64x128xf32, #tpu.memory_space<vmem>>) target(%dma_start3A_128 : memref<64x128xf32, #tpu.memory_space<hbm>>) target_semaphore(%arg17 : memref<!tpu.dma_semaphore, #tpu.memory_space<semaphore_mem>>)
    %dma_wait3A_132 = arith.constant 192 : i32
    %dma_wait3A_133 = arith.constant 0 : i32
    %dma_wait3A_134 = tpu.memref_slice %arg6[%dma_wait3A_132, %dma_wait3A_133] : memref<512x128xf32, #tpu.memory_space<vmem>> -> memref<64x128xf32, #tpu.memory_space<vmem>>
    %dma_wait3A_135 = arith.constant 192 : i32
    %dma_wait3A_136 = tpu.memref_slice %arg5[%dma_wait3A_135] : memref<512xi32, #tpu.memory_space<vmem>> -> memref<64xi32, #tpu.memory_space<vmem>>
    %dma_wait3A_137 = arith.constant 0 : i32
    %dma_wait3A_138 = arith.constant 0 : i32
    %dma_wait3A_139 = tpu.memref_slice %arg7[%dma_wait3A_137, %dma_wait3A_138] : memref<1000x128xf32, #tpu.memory_space<vmem_shared>> -> memref<1000x128xf32, #tpu.memory_space<vmem_shared>>
    tpu.wait_indirect_dma semaphore(%arg12 : memref<!tpu.dma_semaphore, #tpu.memory_space<semaphore_mem>>) src(%dma_wait3A_139 : memref<1000x128xf32, #tpu.memory_space<vmem_shared>>) dst(%dma_wait3A_134 : memref<64x128xf32, #tpu.memory_space<vmem>>)
    %add3A_140 = arith.constant 192 : i32
    %add3A_141 = arith.addi %mul3A_2, %add3A_140 : i32
    %dma_start3A_142 = arith.constant 192 : i32
    %dma_start3A_143 = arith.constant 0 : i32
    %dma_start3A_144 = tpu.memref_slice %arg6[%dma_start3A_142, %dma_start3A_143] : memref<512x128xf32, #tpu.memory_space<vmem>> -> memref<64x128xf32, #tpu.memory_space<vmem>>
    %dma_start3A_145 = arith.constant 0 : i32
    %dma_start3A_146 = tpu.memref_slice %arg4[%add3A_141, %dma_start3A_145] : memref<16384x128xf32, #tpu.memory_space<hbm>> -> memref<64x128xf32, #tpu.memory_space<hbm>>
    %dma_start3A_147 = arith.constant 0 : i32
    %dma_start3A_148 = tpu.memref_slice %arg4[%add3A_141, %dma_start3A_147] : memref<16384x128xf32, #tpu.memory_space<hbm>> -> memref<64x128xf32, #tpu.memory_space<hbm>>
    %dma_start3A_149 = arith.constant 192 : i32
    %dma_start3A_150 = arith.constant 0 : i32
    %dma_start3A_151 = tpu.memref_slice %arg6[%dma_start3A_149, %dma_start3A_150] : memref<512x128xf32, #tpu.memory_space<vmem>> -> memref<64x128xf32, #tpu.memory_space<vmem>>
    tpu.enqueue_dma source(%dma_start3A_151 : memref<64x128xf32, #tpu.memory_space<vmem>>) target(%dma_start3A_148 : memref<64x128xf32, #tpu.memory_space<hbm>>) target_semaphore(%arg17 : memref<!tpu.dma_semaphore, #tpu.memory_space<semaphore_mem>>)
    %dma_wait3A_152 = arith.constant 256 : i32
    %dma_wait3A_153 = arith.constant 0 : i32
    %dma_wait3A_154 = tpu.memref_slice %arg6[%dma_wait3A_152, %dma_wait3A_153] : memref<512x128xf32, #tpu.memory_space<vmem>> -> memref<64x128xf32, #tpu.memory_space<vmem>>
    %dma_wait3A_155 = arith.constant 256 : i32
    %dma_wait3A_156 = tpu.memref_slice %arg5[%dma_wait3A_155] : memref<512xi32, #tpu.memory_space<vmem>> -> memref<64xi32, #tpu.memory_space<vmem>>
    %dma_wait3A_157 = arith.constant 0 : i32
    %dma_wait3A_158 = arith.constant 0 : i32
    %dma_wait3A_159 = tpu.memref_slice %arg7[%dma_wait3A_157, %dma_wait3A_158] : memref<1000x128xf32, #tpu.memory_space<vmem_shared>> -> memref<1000x128xf32, #tpu.memory_space<vmem_shared>>
    tpu.wait_indirect_dma semaphore(%arg13 : memref<!tpu.dma_semaphore, #tpu.memory_space<semaphore_mem>>) src(%dma_wait3A_159 : memref<1000x128xf32, #tpu.memory_space<vmem_shared>>) dst(%dma_wait3A_154 : memref<64x128xf32, #tpu.memory_space<vmem>>)
    %add3A_160 = arith.constant 256 : i32
    %add3A_161 = arith.addi %mul3A_2, %add3A_160 : i32
    %dma_start3A_162 = arith.constant 256 : i32
    %dma_start3A_163 = arith.constant 0 : i32
    %dma_start3A_164 = tpu.memref_slice %arg6[%dma_start3A_162, %dma_start3A_163] : memref<512x128xf32, #tpu.memory_space<vmem>> -> memref<64x128xf32, #tpu.memory_space<vmem>>
    %dma_start3A_165 = arith.constant 0 : i32
    %dma_start3A_166 = tpu.memref_slice %arg4[%add3A_161, %dma_start3A_165] : memref<16384x128xf32, #tpu.memory_space<hbm>> -> memref<64x128xf32, #tpu.memory_space<hbm>>
    %dma_start3A_167 = arith.constant 0 : i32
    %dma_start3A_168 = tpu.memref_slice %arg4[%add3A_161, %dma_start3A_167] : memref<16384x128xf32, #tpu.memory_space<hbm>> -> memref<64x128xf32, #tpu.memory_space<hbm>>
    %dma_start3A_169 = arith.constant 256 : i32
    %dma_start3A_170 = arith.constant 0 : i32
    %dma_start3A_171 = tpu.memref_slice %arg6[%dma_start3A_169, %dma_start3A_170] : memref<512x128xf32, #tpu.memory_space<vmem>> -> memref<64x128xf32, #tpu.memory_space<vmem>>
    tpu.enqueue_dma source(%dma_start3A_171 : memref<64x128xf32, #tpu.memory_space<vmem>>) target(%dma_start3A_168 : memref<64x128xf32, #tpu.memory_space<hbm>>) target_semaphore(%arg17 : memref<!tpu.dma_semaphore, #tpu.memory_space<semaphore_mem>>)
    %dma_wait3A_172 = arith.constant 320 : i32
    %dma_wait3A_173 = arith.constant 0 : i32
    %dma_wait3A_174 = tpu.memref_slice %arg6[%dma_wait3A_172, %dma_wait3A_173] : memref<512x128xf32, #tpu.memory_space<vmem>> -> memref<64x128xf32, #tpu.memory_space<vmem>>
    %dma_wait3A_175 = arith.constant 320 : i32
    %dma_wait3A_176 = tpu.memref_slice %arg5[%dma_wait3A_175] : memref<512xi32, #tpu.memory_space<vmem>> -> memref<64xi32, #tpu.memory_space<vmem>>
    %dma_wait3A_177 = arith.constant 0 : i32
    %dma_wait3A_178 = arith.constant 0 : i32
    %dma_wait3A_179 = tpu.memref_slice %arg7[%dma_wait3A_177, %dma_wait3A_178] : memref<1000x128xf32, #tpu.memory_space<vmem_shared>> -> memref<1000x128xf32, #tpu.memory_space<vmem_shared>>
    tpu.wait_indirect_dma semaphore(%arg14 : memref<!tpu.dma_semaphore, #tpu.memory_space<semaphore_mem>>) src(%dma_wait3A_179 : memref<1000x128xf32, #tpu.memory_space<vmem_shared>>) dst(%dma_wait3A_174 : memref<64x128xf32, #tpu.memory_space<vmem>>)
    %add3A_180 = arith.constant 320 : i32
    %add3A_181 = arith.addi %mul3A_2, %add3A_180 : i32
    %dma_start3A_182 = arith.constant 320 : i32
    %dma_start3A_183 = arith.constant 0 : i32
    %dma_start3A_184 = tpu.memref_slice %arg6[%dma_start3A_182, %dma_start3A_183] : memref<512x128xf32, #tpu.memory_space<vmem>> -> memref<64x128xf32, #tpu.memory_space<vmem>>
    %dma_start3A_185 = arith.constant 0 : i32
    %dma_start3A_186 = tpu.memref_slice %arg4[%add3A_181, %dma_start3A_185] : memref<16384x128xf32, #tpu.memory_space<hbm>> -> memref<64x128xf32, #tpu.memory_space<hbm>>
    %dma_start3A_187 = arith.constant 0 : i32
    %dma_start3A_188 = tpu.memref_slice %arg4[%add3A_181, %dma_start3A_187] : memref<16384x128xf32, #tpu.memory_space<hbm>> -> memref<64x128xf32, #tpu.memory_space<hbm>>
    %dma_start3A_189 = arith.constant 320 : i32
    %dma_start3A_190 = arith.constant 0 : i32
    %dma_start3A_191 = tpu.memref_slice %arg6[%dma_start3A_189, %dma_start3A_190] : memref<512x128xf32, #tpu.memory_space<vmem>> -> memref<64x128xf32, #tpu.memory_space<vmem>>
    tpu.enqueue_dma source(%dma_start3A_191 : memref<64x128xf32, #tpu.memory_space<vmem>>) target(%dma_start3A_188 : memref<64x128xf32, #tpu.memory_space<hbm>>) target_semaphore(%arg17 : memref<!tpu.dma_semaphore, #tpu.memory_space<semaphore_mem>>)
    %dma_wait3A_192 = arith.constant 384 : i32
    %dma_wait3A_193 = arith.constant 0 : i32
    %dma_wait3A_194 = tpu.memref_slice %arg6[%dma_wait3A_192, %dma_wait3A_193] : memref<512x128xf32, #tpu.memory_space<vmem>> -> memref<64x128xf32, #tpu.memory_space<vmem>>
    %dma_wait3A_195 = arith.constant 384 : i32
    %dma_wait3A_196 = tpu.memref_slice %arg5[%dma_wait3A_195] : memref<512xi32, #tpu.memory_space<vmem>> -> memref<64xi32, #tpu.memory_space<vmem>>
    %dma_wait3A_197 = arith.constant 0 : i32
    %dma_wait3A_198 = arith.constant 0 : i32
    %dma_wait3A_199 = tpu.memref_slice %arg7[%dma_wait3A_197, %dma_wait3A_198] : memref<1000x128xf32, #tpu.memory_space<vmem_shared>> -> memref<1000x128xf32, #tpu.memory_space<vmem_shared>>
    tpu.wait_indirect_dma semaphore(%arg15 : memref<!tpu.dma_semaphore, #tpu.memory_space<semaphore_mem>>) src(%dma_wait3A_199 : memref<1000x128xf32, #tpu.memory_space<vmem_shared>>) dst(%dma_wait3A_194 : memref<64x128xf32, #tpu.memory_space<vmem>>)
    %add3A_200 = arith.constant 384 : i32
    %add3A_201 = arith.addi %mul3A_2, %add3A_200 : i32
    %dma_start3A_202 = arith.constant 384 : i32
    %dma_start3A_203 = arith.constant 0 : i32
    %dma_start3A_204 = tpu.memref_slice %arg6[%dma_start3A_202, %dma_start3A_203] : memref<512x128xf32, #tpu.memory_space<vmem>> -> memref<64x128xf32, #tpu.memory_space<vmem>>
    %dma_start3A_205 = arith.constant 0 : i32
    %dma_start3A_206 = tpu.memref_slice %arg4[%add3A_201, %dma_start3A_205] : memref<16384x128xf32, #tpu.memory_space<hbm>> -> memref<64x128xf32, #tpu.memory_space<hbm>>
    %dma_start3A_207 = arith.constant 0 : i32
    %dma_start3A_208 = tpu.memref_slice %arg4[%add3A_201, %dma_start3A_207] : memref<16384x128xf32, #tpu.memory_space<hbm>> -> memref<64x128xf32, #tpu.memory_space<hbm>>
    %dma_start3A_209 = arith.constant 384 : i32
    %dma_start3A_210 = arith.constant 0 : i32
    %dma_start3A_211 = tpu.memref_slice %arg6[%dma_start3A_209, %dma_start3A_210] : memref<512x128xf32, #tpu.memory_space<vmem>> -> memref<64x128xf32, #tpu.memory_space<vmem>>
    tpu.enqueue_dma source(%dma_start3A_211 : memref<64x128xf32, #tpu.memory_space<vmem>>) target(%dma_start3A_208 : memref<64x128xf32, #tpu.memory_space<hbm>>) target_semaphore(%arg17 : memref<!tpu.dma_semaphore, #tpu.memory_space<semaphore_mem>>)
    %dma_wait3A_212 = arith.constant 448 : i32
    %dma_wait3A_213 = arith.constant 0 : i32
    %dma_wait3A_214 = tpu.memref_slice %arg6[%dma_wait3A_212, %dma_wait3A_213] : memref<512x128xf32, #tpu.memory_space<vmem>> -> memref<64x128xf32, #tpu.memory_space<vmem>>
    %dma_wait3A_215 = arith.constant 448 : i32
    %dma_wait3A_216 = tpu.memref_slice %arg5[%dma_wait3A_215] : memref<512xi32, #tpu.memory_space<vmem>> -> memref<64xi32, #tpu.memory_space<vmem>>
    %dma_wait3A_217 = arith.constant 0 : i32
    %dma_wait3A_218 = arith.constant 0 : i32
    %dma_wait3A_219 = tpu.memref_slice %arg7[%dma_wait3A_217, %dma_wait3A_218] : memref<1000x128xf32, #tpu.memory_space<vmem_shared>> -> memref<1000x128xf32, #tpu.memory_space<vmem_shared>>
    tpu.wait_indirect_dma semaphore(%arg16 : memref<!tpu.dma_semaphore, #tpu.memory_space<semaphore_mem>>) src(%dma_wait3A_219 : memref<1000x128xf32, #tpu.memory_space<vmem_shared>>) dst(%dma_wait3A_214 : memref<64x128xf32, #tpu.memory_space<vmem>>)
    %add3A_220 = arith.constant 448 : i32
    %add3A_221 = arith.addi %mul3A_2, %add3A_220 : i32
    %dma_start3A_222 = arith.constant 448 : i32
    %dma_start3A_223 = arith.constant 0 : i32
    %dma_start3A_224 = tpu.memref_slice %arg6[%dma_start3A_222, %dma_start3A_223] : memref<512x128xf32, #tpu.memory_space<vmem>> -> memref<64x128xf32, #tpu.memory_space<vmem>>
    %dma_start3A_225 = arith.constant 0 : i32
    %dma_start3A_226 = tpu.memref_slice %arg4[%add3A_221, %dma_start3A_225] : memref<16384x128xf32, #tpu.memory_space<hbm>> -> memref<64x128xf32, #tpu.memory_space<hbm>>
    %dma_start3A_227 = arith.constant 0 : i32
    %dma_start3A_228 = tpu.memref_slice %arg4[%add3A_221, %dma_start3A_227] : memref<16384x128xf32, #tpu.memory_space<hbm>> -> memref<64x128xf32, #tpu.memory_space<hbm>>
    %dma_start3A_229 = arith.constant 448 : i32
    %dma_start3A_230 = arith.constant 0 : i32
    %dma_start3A_231 = tpu.memref_slice %arg6[%dma_start3A_229, %dma_start3A_230] : memref<512x128xf32, #tpu.memory_space<vmem>> -> memref<64x128xf32, #tpu.memory_space<vmem>>
    tpu.enqueue_dma source(%dma_start3A_231 : memref<64x128xf32, #tpu.memory_space<vmem>>) target(%dma_start3A_228 : memref<64x128xf32, #tpu.memory_space<hbm>>) target_semaphore(%arg17 : memref<!tpu.dma_semaphore, #tpu.memory_space<semaphore_mem>>)
    %dma_wait3A_232 = arith.constant 0 : i32
    %dma_wait3A_233 = arith.constant 0 : i32
    %dma_wait3A_234 = tpu.memref_slice %arg6[%dma_wait3A_232, %dma_wait3A_233] : memref<512x128xf32, #tpu.memory_space<vmem>> -> memref<64x128xf32, #tpu.memory_space<vmem>>
    %dma_wait3A_235 = arith.constant 0 : i32
    %dma_wait3A_236 = tpu.memref_slice %arg4[%add3A_81, %dma_wait3A_235] : memref<16384x128xf32, #tpu.memory_space<hbm>> -> memref<64x128xf32, #tpu.memory_space<hbm>>
    %dma_wait3A_237 = arith.constant 0 : i32
    %dma_wait3A_238 = tpu.memref_slice %arg4[%add3A_81, %dma_wait3A_237] : memref<16384x128xf32, #tpu.memory_space<hbm>> -> memref<64x128xf32, #tpu.memory_space<hbm>>
    %dma_wait3A_239 = arith.constant 0 : i32
    %dma_wait3A_240 = arith.constant 0 : i32
    %dma_wait3A_241 = tpu.memref_slice %arg6[%dma_wait3A_239, %dma_wait3A_240] : memref<512x128xf32, #tpu.memory_space<vmem>> -> memref<64x128xf32, #tpu.memory_space<vmem>>
    tpu.wait_dma2 semaphore(%arg17 : memref<!tpu.dma_semaphore, #tpu.memory_space<semaphore_mem>>) src(%dma_wait3A_241 : memref<64x128xf32, #tpu.memory_space<vmem>>) dst(%dma_wait3A_238 : memref<64x128xf32, #tpu.memory_space<hbm>>)
    %dma_wait3A_242 = arith.constant 64 : i32
    %dma_wait3A_243 = arith.constant 0 : i32
    %dma_wait3A_244 = tpu.memref_slice %arg6[%dma_wait3A_242, %dma_wait3A_243] : memref<512x128xf32, #tpu.memory_space<vmem>> -> memref<64x128xf32, #tpu.memory_space<vmem>>
    %dma_wait3A_245 = arith.constant 0 : i32
    %dma_wait3A_246 = tpu.memref_slice %arg4[%add3A_101, %dma_wait3A_245] : memref<16384x128xf32, #tpu.memory_space<hbm>> -> memref<64x128xf32, #tpu.memory_space<hbm>>
    %dma_wait3A_247 = arith.constant 0 : i32
    %dma_wait3A_248 = tpu.memref_slice %arg4[%add3A_101, %dma_wait3A_247] : memref<16384x128xf32, #tpu.memory_space<hbm>> -> memref<64x128xf32, #tpu.memory_space<hbm>>
    %dma_wait3A_249 = arith.constant 64 : i32
    %dma_wait3A_250 = arith.constant 0 : i32
    %dma_wait3A_251 = tpu.memref_slice %arg6[%dma_wait3A_249, %dma_wait3A_250] : memref<512x128xf32, #tpu.memory_space<vmem>> -> memref<64x128xf32, #tpu.memory_space<vmem>>
    tpu.wait_dma2 semaphore(%arg17 : memref<!tpu.dma_semaphore, #tpu.memory_space<semaphore_mem>>) src(%dma_wait3A_251 : memref<64x128xf32, #tpu.memory_space<vmem>>) dst(%dma_wait3A_248 : memref<64x128xf32, #tpu.memory_space<hbm>>)
    %dma_wait3A_252 = arith.constant 128 : i32
    %dma_wait3A_253 = arith.constant 0 : i32
    %dma_wait3A_254 = tpu.memref_slice %arg6[%dma_wait3A_252, %dma_wait3A_253] : memref<512x128xf32, #tpu.memory_space<vmem>> -> memref<64x128xf32, #tpu.memory_space<vmem>>
    %dma_wait3A_255 = arith.constant 0 : i32
    %dma_wait3A_256 = tpu.memref_slice %arg4[%add3A_121, %dma_wait3A_255] : memref<16384x128xf32, #tpu.memory_space<hbm>> -> memref<64x128xf32, #tpu.memory_space<hbm>>
    %dma_wait3A_257 = arith.constant 0 : i32
    %dma_wait3A_258 = tpu.memref_slice %arg4[%add3A_121, %dma_wait3A_257] : memref<16384x128xf32, #tpu.memory_space<hbm>> -> memref<64x128xf32, #tpu.memory_space<hbm>>
    %dma_wait3A_259 = arith.constant 128 : i32
    %dma_wait3A_260 = arith.constant 0 : i32
    %dma_wait3A_261 = tpu.memref_slice %arg6[%dma_wait3A_259, %dma_wait3A_260] : memref<512x128xf32, #tpu.memory_space<vmem>> -> memref<64x128xf32, #tpu.memory_space<vmem>>
    tpu.wait_dma2 semaphore(%arg17 : memref<!tpu.dma_semaphore, #tpu.memory_space<semaphore_mem>>) src(%dma_wait3A_261 : memref<64x128xf32, #tpu.memory_space<vmem>>) dst(%dma_wait3A_258 : memref<64x128xf32, #tpu.memory_space<hbm>>)
    %dma_wait3A_262 = arith.constant 192 : i32
    %dma_wait3A_263 = arith.constant 0 : i32
    %dma_wait3A_264 = tpu.memref_slice %arg6[%dma_wait3A_262, %dma_wait3A_263] : memref<512x128xf32, #tpu.memory_space<vmem>> -> memref<64x128xf32, #tpu.memory_space<vmem>>
    %dma_wait3A_265 = arith.constant 0 : i32
    %dma_wait3A_266 = tpu.memref_slice %arg4[%add3A_141, %dma_wait3A_265] : memref<16384x128xf32, #tpu.memory_space<hbm>> -> memref<64x128xf32, #tpu.memory_space<hbm>>
    %dma_wait3A_267 = arith.constant 0 : i32
    %dma_wait3A_268 = tpu.memref_slice %arg4[%add3A_141, %dma_wait3A_267] : memref<16384x128xf32, #tpu.memory_space<hbm>> -> memref<64x128xf32, #tpu.memory_space<hbm>>
    %dma_wait3A_269 = arith.constant 192 : i32
    %dma_wait3A_270 = arith.constant 0 : i32
    %dma_wait3A_271 = tpu.memref_slice %arg6[%dma_wait3A_269, %dma_wait3A_270] : memref<512x128xf32, #tpu.memory_space<vmem>> -> memref<64x128xf32, #tpu.memory_space<vmem>>
    tpu.wait_dma2 semaphore(%arg17 : memref<!tpu.dma_semaphore, #tpu.memory_space<semaphore_mem>>) src(%dma_wait3A_271 : memref<64x128xf32, #tpu.memory_space<vmem>>) dst(%dma_wait3A_268 : memref<64x128xf32, #tpu.memory_space<hbm>>)
    %dma_wait3A_272 = arith.constant 256 : i32
    %dma_wait3A_273 = arith.constant 0 : i32
    %dma_wait3A_274 = tpu.memref_slice %arg6[%dma_wait3A_272, %dma_wait3A_273] : memref<512x128xf32, #tpu.memory_space<vmem>> -> memref<64x128xf32, #tpu.memory_space<vmem>>
    %dma_wait3A_275 = arith.constant 0 : i32
    %dma_wait3A_276 = tpu.memref_slice %arg4[%add3A_161, %dma_wait3A_275] : memref<16384x128xf32, #tpu.memory_space<hbm>> -> memref<64x128xf32, #tpu.memory_space<hbm>>
    %dma_wait3A_277 = arith.constant 0 : i32
    %dma_wait3A_278 = tpu.memref_slice %arg4[%add3A_161, %dma_wait3A_277] : memref<16384x128xf32, #tpu.memory_space<hbm>> -> memref<64x128xf32, #tpu.memory_space<hbm>>
    %dma_wait3A_279 = arith.constant 256 : i32
    %dma_wait3A_280 = arith.constant 0 : i32
    %dma_wait3A_281 = tpu.memref_slice %arg6[%dma_wait3A_279, %dma_wait3A_280] : memref<512x128xf32, #tpu.memory_space<vmem>> -> memref<64x128xf32, #tpu.memory_space<vmem>>
    tpu.wait_dma2 semaphore(%arg17 : memref<!tpu.dma_semaphore, #tpu.memory_space<semaphore_mem>>) src(%dma_wait3A_281 : memref<64x128xf32, #tpu.memory_space<vmem>>) dst(%dma_wait3A_278 : memref<64x128xf32, #tpu.memory_space<hbm>>)
    %dma_wait3A_282 = arith.constant 320 : i32
    %dma_wait3A_283 = arith.constant 0 : i32
    %dma_wait3A_284 = tpu.memref_slice %arg6[%dma_wait3A_282, %dma_wait3A_283] : memref<512x128xf32, #tpu.memory_space<vmem>> -> memref<64x128xf32, #tpu.memory_space<vmem>>
    %dma_wait3A_285 = arith.constant 0 : i32
    %dma_wait3A_286 = tpu.memref_slice %arg4[%add3A_181, %dma_wait3A_285] : memref<16384x128xf32, #tpu.memory_space<hbm>> -> memref<64x128xf32, #tpu.memory_space<hbm>>
    %dma_wait3A_287 = arith.constant 0 : i32
    %dma_wait3A_288 = tpu.memref_slice %arg4[%add3A_181, %dma_wait3A_287] : memref<16384x128xf32, #tpu.memory_space<hbm>> -> memref<64x128xf32, #tpu.memory_space<hbm>>
    %dma_wait3A_289 = arith.constant 320 : i32
    %dma_wait3A_290 = arith.constant 0 : i32
    %dma_wait3A_291 = tpu.memref_slice %arg6[%dma_wait3A_289, %dma_wait3A_290] : memref<512x128xf32, #tpu.memory_space<vmem>> -> memref<64x128xf32, #tpu.memory_space<vmem>>
    tpu.wait_dma2 semaphore(%arg17 : memref<!tpu.dma_semaphore, #tpu.memory_space<semaphore_mem>>) src(%dma_wait3A_291 : memref<64x128xf32, #tpu.memory_space<vmem>>) dst(%dma_wait3A_288 : memref<64x128xf32, #tpu.memory_space<hbm>>)
    %dma_wait3A_292 = arith.constant 384 : i32
    %dma_wait3A_293 = arith.constant 0 : i32
    %dma_wait3A_294 = tpu.memref_slice %arg6[%dma_wait3A_292, %dma_wait3A_293] : memref<512x128xf32, #tpu.memory_space<vmem>> -> memref<64x128xf32, #tpu.memory_space<vmem>>
    %dma_wait3A_295 = arith.constant 0 : i32
    %dma_wait3A_296 = tpu.memref_slice %arg4[%add3A_201, %dma_wait3A_295] : memref<16384x128xf32, #tpu.memory_space<hbm>> -> memref<64x128xf32, #tpu.memory_space<hbm>>
    %dma_wait3A_297 = arith.constant 0 : i32
    %dma_wait3A_298 = tpu.memref_slice %arg4[%add3A_201, %dma_wait3A_297] : memref<16384x128xf32, #tpu.memory_space<hbm>> -> memref<64x128xf32, #tpu.memory_space<hbm>>
    %dma_wait3A_299 = arith.constant 384 : i32
    %dma_wait3A_300 = arith.constant 0 : i32
    %dma_wait3A_301 = tpu.memref_slice %arg6[%dma_wait3A_299, %dma_wait3A_300] : memref<512x128xf32, #tpu.memory_space<vmem>> -> memref<64x128xf32, #tpu.memory_space<vmem>>
    tpu.wait_dma2 semaphore(%arg17 : memref<!tpu.dma_semaphore, #tpu.memory_space<semaphore_mem>>) src(%dma_wait3A_301 : memref<64x128xf32, #tpu.memory_space<vmem>>) dst(%dma_wait3A_298 : memref<64x128xf32, #tpu.memory_space<hbm>>)
    %dma_wait3A_302 = arith.constant 448 : i32
    %dma_wait3A_303 = arith.constant 0 : i32
    %dma_wait3A_304 = tpu.memref_slice %arg6[%dma_wait3A_302, %dma_wait3A_303] : memref<512x128xf32, #tpu.memory_space<vmem>> -> memref<64x128xf32, #tpu.memory_space<vmem>>
    %dma_wait3A_305 = arith.constant 0 : i32
    %dma_wait3A_306 = tpu.memref_slice %arg4[%add3A_221, %dma_wait3A_305] : memref<16384x128xf32, #tpu.memory_space<hbm>> -> memref<64x128xf32, #tpu.memory_space<hbm>>
    %dma_wait3A_307 = arith.constant 0 : i32
    %dma_wait3A_308 = tpu.memref_slice %arg4[%add3A_221, %dma_wait3A_307] : memref<16384x128xf32, #tpu.memory_space<hbm>> -> memref<64x128xf32, #tpu.memory_space<hbm>>
    %dma_wait3A_309 = arith.constant 448 : i32
    %dma_wait3A_310 = arith.constant 0 : i32
    %dma_wait3A_311 = tpu.memref_slice %arg6[%dma_wait3A_309, %dma_wait3A_310] : memref<512x128xf32, #tpu.memory_space<vmem>> -> memref<64x128xf32, #tpu.memory_space<vmem>>
    tpu.wait_dma2 semaphore(%arg17 : memref<!tpu.dma_semaphore, #tpu.memory_space<semaphore_mem>>) src(%dma_wait3A_311 : memref<64x128xf32, #tpu.memory_space<vmem>>) dst(%dma_wait3A_308 : memref<64x128xf32, #tpu.memory_space<hbm>>)
    return
  }
}

</mosaic_0001>

<sc_bundles>
// kernel: kernel.3.cloned.1.call-start
scs
__scs_entry_jumppad:
0x0: {  	(pc) =	sbr.rel $0x88, $3  }
0x1: {  	(tag) =	ssettag $0x0;
	lr =	simm.s32 $0x1  }
0x2: {  	[smem:$0x3F9F] =	sst lr;
	_ =	strace $0xD0000000  }
0x3: {  	_ = 	snop  }
0x4: {  	_ = 	snop  }
0x5: {  	_ = 	snop  }
0x6: {  	_ = 	snop  }
0x7: {  	_ = 	snop  }
__scs_overlays_trampoline_lowered:
0x8: {  	[smem:$0x3FAE] =	sst s0  }
0x9: {  	[smem:$0x3FAF] =	sst s1  }
0xa: {  	[smem:$0x3FB0] =	sst s2  }
0xb: {  	[smem:$0x3FB1] =	sst s3  }
0xc: {  	[smem:$0x3FB2] =	sst s4  }
0xd: {  	[smem:$0x3FB3] =	sst s5  }
0xe: {  	[smem:$0x3FB4] =	sst s6  }
0xf: {  	[smem:$0x3FB5] =	sst s7  }
0x10: {  	[smem:$0x3FB6] =	sst s8  }
0x11: {  	[smem:$0x3FB7] =	sst s9;
	s0 =	simm.s32 @!p0 $0x0  }
0x12: {  	s1 =	sld [smem:$0x3F9D];
	s0 =	simm.s32 @p0 $0x1  }
0x13: {  	[smem:$0x3FB8] =	sst s0;
	s0 =	simm.s32 @!p1 $0x0  }
0x14: {  	s2 =	sld [smem:$0x3F9C];
	s0 =	simm.s32 @p1 $0x1  }
0x15: {  	[smem:$0x3FB9] =	sst s0;
	s0 =	simm.s32 @!p2 $0x0  }
0x16: {  	s3 =	sld [smem:$0x3FDB];
	s0 =	simm.s32 @p2 $0x1  }
0x17: {  	s4 =	simm.s32 $0x1BF5;
	[smem:$0x3FBB] =	sst s0  }
0x18: {  	s0 =	sld [smem:$0x3F9E];
	_ =	swait.ge [sflag:s4], $0x0  }
0x19: {  	s7 =	sld [smem:$0x3F9F]  }
0x1a: {  	s8 =	sadd.s32 $0xFFFFE003, lr  }
0x1b: {  	s9 =	sadd.s32 $0xFFFFFEF7, lr;
	s5 =	simm.s32 $0xFFFFFFFF;
	p2 =	slt.u32 s8, $0xFFFFF086  }
0x1c: {  	p1 =	slt.u32 s9, $0xF7A;
	s5 =	simm.s32 @!p2 $0x0  }
0x1d: {  	s5 =	simm.s32 @p1 $0x1;
	p0 =	seq.s32 s7, s2  }
0x1e: {  	s7 =	smul.u32 @!p0 $0xF7A, s2;
	p2 =	seq.s32 @!p0 s5, $0x0  }
0x1f: {  	s9 =	smul.u32 $0xF7A, s1;
	s8 =	simm.s32 @!p0 $0x1BF5;
	p2 =	por !p2, p0  }
0x20: {  	[sflag:s8] =	ssyncset.s32 @!p0 $0xFFFFF086;
	s6 =	sadd.s32 @!p0 s3, s7;
	s7 =	simm.s32 @!p0 $0x108  }
0x21: {  	s3 =	sadd.s32 s3, s9;
	s6 =	sadd.s32 @!p0 $0x88, s6;
	s7 =	simm.s32 @p2 $0x1082  }
0x22: {  	[simem:s7], [sflag:s8] =	dma.local @!p0 [hbm:s6], $0xF7A  }
0x23: {  	s9 =	sor.u32 $0xD0000000, s2;
	s6 =	simm.s32 $0x108;
	_ =	swait.ge @!p0 [sflag:s8], $0x0  }
0x24: {  	s3 =	sadd.s32 $0x88, s3;
	s6 =	simm.s32 @!p1 $0x1082;
	[sflag:s4] =	ssyncset.s32 $0xFFFFF086  }
0x25: {  	[simem:s6], [sflag:s4] =	dma.local [hbm:s3], $0xF7A  }
0x26: {  	[smem:$0x3F9F] =	sst s1;
	(tag) =	ssettag s2;
	_ =	strace s9  }
0x27: {  	s1 =	sld [smem:$0x3FAF]  }
0x28: {  	s2 =	sld [smem:$0x3FB0]  }
0x29: {  	s4 =	sld [smem:$0x3FB2]  }
0x2a: {  	p0 =	seq.s32 s5, $0x0;
	s5 =	sld [smem:$0x3FB3]  }
0x2b: {  	s6 =	sld [smem:$0x3FB4]  }
0x2c: {  	s7 =	sld [smem:$0x3FB5]  }
0x2d: {  	s3 =	simm.s32 $0x108;
	s8 =	sld [smem:$0x3FB6]  }
0x2e: {  	s3 =	simm.s32 @!p0 $0x1082;
	s9 =	sld [smem:$0x3FB7]  }
0x2f: {  	lr =	sadd.s32 s0, s3;
	s0 =	sld [smem:$0x3FAE]  }
0x30: {  	s3 =	sld [smem:$0x3FB1]  }
0x31: {  	[smem:$0x3FBA] =	sst s10  }
0x32: {  	s10 =	sld [smem:$0x3FB8];
	_ =	sdelay $0x3  }
0x33: {  	p0 =	seq.s32 s10, $0x1;
	s10 =	sld [smem:$0x3FBA];
	_ =	sdelay $0x3  }
0x34: {  	[smem:$0x3FBA] =	sst s10  }
0x35: {  	s10 =	sld [smem:$0x3FB9];
	_ =	sdelay $0x3  }
0x36: {  	p1 =	seq.s32 s10, $0x1;
	s10 =	sld [smem:$0x3FBA];
	_ =	sdelay $0x3  }
0x37: {  	[smem:$0x3FBA] =	sst s10  }
0x38: {  	s10 =	sld [smem:$0x3FBB]  }
0x39: {  	_ = 	snop;
	(pc) =	sbr.ind lr, $3  }
0x3a: {  	_ = 	snop  }
0x3b: {  	_ = 	snop  }
0x3c: {  	p2 =	seq.s32 s10, $0x1;
	s10 =	sld [smem:$0x3FBA]  }
0x3d: {  	_ =	shalt  }
0x3e: {  	_ =	shalt  }
0x3f: {  	_ =	shalt  }
0x40: {  	_ =	shalt  }
0x41: {  	_ =	shalt  }
0x42: {  	_ =	shalt  }
0x43: {  	_ =	shalt  }
0x44: {  	_ =	shalt  }
0x45: {  	_ =	shalt  }
0x46: {  	_ =	shalt  }
0x47: {  	_ =	shalt  }
0x48: {  	_ =	shalt  }
0x49: {  	_ =	shalt  }
0x4a: {  	_ =	shalt  }
0x4b: {  	_ =	shalt  }
0x4c: {  	_ =	shalt  }
0x4d: {  	_ =	shalt  }
0x4e: {  	_ =	shalt  }
0x4f: {  	_ =	shalt  }
0x50: {  	_ =	shalt  }
0x51: {  	_ =	shalt  }
0x52: {  	_ =	shalt  }
0x53: {  	_ =	shalt  }
0x54: {  	_ =	shalt  }
0x55: {  	_ =	shalt  }
0x56: {  	_ =	shalt  }
0x57: {  	_ =	shalt  }
0x58: {  	_ =	shalt  }
0x59: {  	_ =	shalt  }
0x5a: {  	_ =	shalt  }
0x5b: {  	_ =	shalt  }
0x5c: {  	_ =	shalt  }
0x5d: {  	_ =	shalt  }
0x5e: {  	_ =	shalt  }
0x5f: {  	_ =	shalt  }
0x60: {  	_ =	shalt  }
0x61: {  	_ =	shalt  }
0x62: {  	_ =	shalt  }
0x63: {  	_ =	shalt  }
0x64: {  	_ =	shalt  }
0x65: {  	_ =	shalt  }
0x66: {  	_ =	shalt  }
0x67: {  	_ =	shalt  }
0x68: {  	_ =	shalt  }
0x69: {  	_ =	shalt  }
0x6a: {  	_ =	shalt  }
0x6b: {  	_ =	shalt  }
0x6c: {  	_ =	shalt  }
0x6d: {  	_ =	shalt  }
0x6e: {  	_ =	shalt  }
0x6f: {  	_ =	shalt  }
0x70: {  	_ =	shalt  }
0x71: {  	_ =	shalt  }
0x72: {  	_ =	shalt  }
0x73: {  	_ =	shalt  }
0x74: {  	_ =	shalt  }
0x75: {  	_ =	shalt  }
0x76: {  	_ =	shalt  }
0x77: {  	_ =	shalt  }
0x78: {  	_ =	shalt  }
0x79: {  	_ =	shalt  }
0x7a: {  	_ =	shalt  }
0x7b: {  	_ =	shalt  }
0x7c: {  	_ =	shalt  }
0x7d: {  	_ =	shalt  }
0x7e: {  	_ =	shalt  }
0x7f: {  	_ =	shalt  }
0x80: {  	_ =	shalt  }
0x81: {  	_ =	shalt  }
0x82: {  	_ =	shalt  }
0x83: {  	_ =	shalt  }
0x84: {  	_ =	shalt  }
0x85: {  	_ =	shalt  }
0x86: {  	_ =	shalt  }
0x87: {  	_ =	shalt  }
.Lfunc_end0:
.L_simem_size_0:
called_computation_lowered:
.L_overlay_start_0:
0x88: {  	s2 =	sld [smem:$0x3FD9]  }
0x89: {  	s3 =	sld [smem:$0x3FFE];
	_ =	sdelay $0x1  }
0x8a: {  	s1 =	srdreg.scid  }
0x8b: {  	s0 =	sand.u32 $0x1, s1  }
0x8c: {  	s18 =	sshll.u32 s0, $0xA;
	s2 =	sadd.s32 s3, s2  }
0x8d: {  	s2 =	sadd.s32 s2, s18  }
0x8e: {  	[smem:$0x3FC6] =	sst s2  }
0x8f: {  	_ = 	snop  }
0x90: {  	s2 =	sld [smem:$0x3FC9]  }
0x91: {  	s19 =	sld [smem:$0x3FC8]  }
0x92: {  	s4 =	sld [smem:$0x3FD0];
	(tm) =	ssettm $0x1  }
0x93: {  	s5 =	sld [smem:$0x3FFB];
	_ =	sdelay $0x3  }
0x94: {  	_ =	strace s5  }
0x95: {  	s5 =	sld [smem:$0x3FFC];
	_ =	sdelay $0x3  }
0x96: {  	_ =	strace s5  }
0x97: {  	s5 =	sld [smem:$0x3FFD];
	_ =	sdelay $0x3  }
0x98: {  	_ =	strace s5  }
0x99: {  	_ =	strace $0x8FFFFFFF  }
0x9a: {  	s20 =	sld [smem:$0x3FDB];
	_ =	sdelay $0x1  }
0x9b: {  	s6 =	simm.s32 $_scs_section_size  }
0x9c: {  	s7 =	simm.s32 $_size__tile_overlayer_lowered;
	s8 =	simm.s32 $_tile_overlayer_lowered  }
0x9d: {  	s23 =	simm.s32 $0x1BFF;
	s22 =	sshll.u32 s8, $0x1;
	s5 =	sadd.s32 s6, s20  }
0x9e: {  	s9 =	simm.s32 $0x0;
	s21 =	sshll.u32 s7, $0x1;
	s7 =	sadd.s32 s22, s5  }
0x9f: {  	[timem:s9], [sflag:s23] =	dma.local [hbm:s7], s21  }
0xa0: {  	_ =	swait.ge [sflag:s23], s21  }
0xa1: {  	s6 =	ssub.s32 $0x0, s21;
	[sflag:s23] =	ssyncset.done $0x0  }
0xa2: {  	[sflag:s23] =	ssyncadd.s32 s6;
	_ =	sdelay $0x1  }
0xa3: {  	s24 =	simm.s32 $0x1B8B  }
0xa4: {  	_ =	swait.ge [sflag:s24], $0x1  }
0xa5: {  	[sflag:s24] =	ssyncset.done $0x0  }
0xa6: {  	s25 =	simm.s32 $0x1B8E;
	[sflag:s24] =	ssyncadd.s32 $0xFFFFFFFF  }
0xa7: {  	s26 =	simm.s32 $execute0_lowered;
	[smem:$0x3FD2] =	sst s25  }
0xa8: {  	s6 =	sshll.u32 s26, $0x1;
	_ =	strace $0x80000046;
	[dreg:$0x1] =	wrdreg $0xFFFFFFFF  }
0xa9: {  	s28 =	simm.s32 $_size_execute0_lowered;
	s5 =	sadd.s32 s5, s6;
	[dreg:$0x0] =	wrdreg $0x0  }
0xaa: {  	s6 =	sshll.u32 s28, $0x1;
	[dreg:$0x2] =	wrdreg s5  }
0xab: {  	[dreg:$0x3] =	wrdreg s6  }
0xac: {  	[dreg:$0x4] =	wrdreg $0xC0  }
0xad: {  	_ =	task [dreg:s9], $0x5FFFF  }
0xae: {  	[dreg:$0x1] =	wrdreg $0xFFFFFFFF  }
0xaf: {  	[dreg:$0x0] =	wrdreg $0x60  }
0xb0: {  	[dreg:$0x2] =	wrdreg s2  }
0xb1: {  	[dreg:$0x3] =	wrdreg s19  }
0xb2: {  	[dreg:$0x4] =	wrdreg s4  }
0xb3: {  	[dreg:$0x5] =	wrdreg $0x102000  }
0xb4: {  	[dreg:$0x6] =	wrdreg $0x9  }
0xb5: {  	_ =	task.clear_ibuf [dreg:s9], $0x7FFFF;
	_ =	strace $0x90000046  }
0xb6: {  	s29 =	simm.s32 $0x9;
	_ =	strace $0x80000048  }
0xb7: {  	_ =	swait.ge [sflag:s29], $0x1  }
0xb8: {  	[sflag:s29] =	ssyncadd.s32 $0xFFFFFFFF  }
0xb9: {  	_ =	strace $0x90000048  }
0xba: {  	_ =	sfence  }
0xbb: {  	s30 =	sld [smem:$0x0];
	_ =	sdelay $0x2  }
0xbc: {  	s31 =	sshll.u32 s1, $0xD;
	s1 =	sshrl.u32 s1, $0x2  }
0xbd: {  	s3 =	sand.u32 $0x4000, s31;
	s1 =	sadd.s32 s1, s30  }
0xbe: {  	s0 =	sor.u32 s3, s0;
	s1 =	sshll.u32 s1, $0x11  }
0xbf: {  	s0 =	sor.u32 s1, s0  }
0xc0: {  	s0 =	sadd.s32 $0x8F2B, s0  }
0xc1: {  	[sflag:s0] =	ssyncadd.remote.s32 $0x1  }
0xc2: {  	_ =	sfence.sel $0xFFFF  }
0xc3: {  	[dreg:$0x0] =	wrdreg $0xFFFFFFFF;
	(pc) =	sbr.abs _section_cstart, $3  }
0xc4: {  	[dreg:$0x1] =	wrdreg $0xFFFFFFFF  }
0xc5: {  	_ =	task.clear_ibuf [dreg:s9], $0x2FFFF;
	_ =	strace $0x9FFFFFFF  }
0xc6: {  	(tm) =	ssettm $0x7FFFFFFF  }
0xc7: {  	_ =	shalt  }
tec
execute0_lowered:
.L_overlay_start_1:
0x0: {  	(tag) =	ssettag $0x1  }
0x1: {  	s0 =	rddreg [dreg:$0x0]  }
0x2: {  	s4 =	rddreg [dreg:$0x1]  }
0x3: {  	s5 =	rddreg [dreg:$0x2]  }
0x4: {  	s1 =	srdreg.scid;
	s2 =	rddreg [dreg:$0x3]  }
0x5: {  	s9 =	stileid.u32;
	s3 =	simm.s32 $0x0;
	s19 =	simm.s32 $0x80  }
0x6: {  	s20 =	simm.s32 $0xC0;
	s1 =	sand.u32 $0x1, s1;
	s6 =	sshll.u32 s9, $0xA  }
0x7: {  	s11 =	smul.u32 $0xC80, s9;
	[smem:$0x7FF] =	sst s3;
	s7 =	sshll.u32 s1, $0x9  }
0x8: {  	_ =	strace $0x80000047;
	[dreg:$0xf] =	wrdreg s19;
	s6 =	sor.u32 s7, s6  }
0x9: {  	s21 =	simm.s32 $0x100;
	[dreg:$0x10] =	wrdreg s20;
	s8 =	sshll.u32 s6, $0x4  }
0xa: {  	[dreg:$0x11] =	wrdreg s21;
	s7 =	sadd.s32 s4, s11;
	s4 =	sadd.s32 s5, s8  }
0xb: {  	[dreg:$0x5] =	wrdreg s7;
	s5 =	sadd.s32 $0x400, s4  }
0xc: {  	s12 =	sadd.s32 $0x800, s4;
	[dreg:$0x6] =	wrdreg s5  }
0xd: {  	s13 =	smul.u32 $0x19000, s9;
	s14 =	sadd.s32 $0xC00, s4;
	[dreg:$0x7] =	wrdreg s12  }
0xe: {  	p0 =	sgt.u32 s9, $0x4;
	s15 =	sadd.s32 $0x1000, s4;
	[dreg:$0x8] =	wrdreg s14  }
0xf: {  	s7 =	sshrl.u32 s13, $0x2;
	s16 =	sadd.s32 $0x1400, s4;
	[dreg:$0x9] =	wrdreg s15  }
0x10: {  	s6 =	sshrl.u32 s6, $0x3;
	s17 =	sadd.s32 $0x1800, s4;
	[dreg:$0xa] =	wrdreg s16  }
0x11: {  	s8 =	sshll.u32 @!p0 s9, $0x6;
	s18 =	sadd.s32 $0x1C00, s4;
	[dreg:$0xb] =	wrdreg s17  }
0x12: {  	s7 =	sadd.s32 s7, s2;
	[dreg:$0xc] =	wrdreg s18;
	s5 =	sor.u32 @!p0 $0x1C01, s8  }
0x13: {  	[dreg:$0xd] =	wrdreg s5;
	s5 =	sshrl.u32 @!p0 s7, $0x3;
	s7 =	simm.s32 @p0 $0xB  }
0x14: {  	[dreg:$0xe] =	wrdreg s5;
	s5 =	sadd.s32 s0, s6;
	s0 =	simm.s32 @p0 $0x0  }
0x15: {  	[tilespmem:s0], [sflag:$0xB] =	stream.linear.gather @p0 [hbm4b:s5+s0], $0x200, $0x38;
	[tilespmem:$0x12140] =	vst v63  }
0x16: {  	_ =	swait.ge @p0 [sflag:s7], $0x200  }
0x17: {  	s0 =	rddreg [dreg:$0xe]  }
0x18: {  	s9 =	simm.s32 @!p0 $0xB;
	s10 =	rddreg [dreg:$0x5];
	[sflag:s7] =	ssyncset.done @p0 $0x0  }
0x19: {  	s6 =	simm.s32 @!p0 $0x0;
	s11 =	rddreg [dreg:$0xd];
	[sflag:s7] =	ssyncadd.s32 @p0 $0xFFFFFE00  }
0x1a: {  	[spmem:s0], [sflag:s11] =	dma.local @!p0 [hbm:s10], $0xC80  }
0x1b: {  	[tilespmem:s6], [sflag:$0xB] =	stream.linear.gather @!p0 [hbm4b:s5+s6], $0x200, $0x38;
	[tilespmem:$0x12140] =	vst v63  }
0x1c: {  	_ =	swait.ge @!p0 [sflag:s9], $0x200  }
0x1d: {  	[sflag:s9] =	ssyncset.done @!p0 $0x0  }
0x1e: {  	s10 =	simm.s32 @!p0 $0x1;
	[sflag:s9] =	ssyncadd.s32 @!p0 $0xFFFFFE00  }
0x1f: {  	_ =	swait.ge @!p0 [sflag:s10], $0xC80  }
0x20: {  	[sflag:s10] =	ssyncset.done @!p0 $0x0  }
0x21: {  	[sflag:s10] =	ssyncadd.s32 @!p0 $0xFFFFF380  }
0x22: {  	s12 =	simm.s32 $0x200;
	s11 =	simm.s32 $0x40;
	[bflag:$0x0] =	sbarrier.arrive $0xFFFF  }
0x23: {  	[tilespmem:s12], [sflag:$0x2] =	stream.indirect.gather [spmem:s2], $0x80, s3, s11, $0xb8;
	[tilespmem:$0x12140] =	vst v63  }
0x24: {  	s13 =	simm.s32 $0x2200  }
0x25: {  	[tilespmem:s13], [sflag:$0x3] =	stream.indirect.gather [spmem:s2], $0x80, s11, s11, $0xb8;
	[tilespmem:$0x12140] =	vst v63  }
0x26: {  	s14 =	simm.s32 $0x4200;
	s22 =	rddreg [dreg:$0xf]  }
0x27: {  	[tilespmem:s14], [sflag:$0x4] =	stream.indirect.gather [spmem:s2], $0x80, s22, s11, $0xb8;
	[tilespmem:$0x12140] =	vst v63  }
0x28: {  	s15 =	simm.s32 $0x6200;
	s16 =	rddreg [dreg:$0x10]  }
0x29: {  	[tilespmem:s15], [sflag:$0x5] =	stream.indirect.gather [spmem:s2], $0x80, s16, s11, $0xb8;
	[tilespmem:$0x12140] =	vst v63  }
0x2a: {  	s23 =	rddreg [dreg:$0x11];
	s16 =	simm.s32 $0x8200  }
0x2b: {  	[tilespmem:s16], [sflag:$0x6] =	stream.indirect.gather [spmem:s2], $0x80, s23, s11, $0xb8;
	[tilespmem:$0x12140] =	vst v63  }
0x2c: {  	s24 =	simm.s32 $0x140;
	s18 =	simm.s32 $0xA200  }
0x2d: {  	[tilespmem:s18], [sflag:$0x7] =	stream.indirect.gather [spmem:s2], $0x80, s24, s11, $0xb8;
	[tilespmem:$0x12140] =	vst v63  }
0x2e: {  	s19 =	simm.s32 $0x180;
	s20 =	simm.s32 $0xC200  }
0x2f: {  	[tilespmem:s20], [sflag:$0x8] =	stream.indirect.gather [spmem:s2], $0x80, s19, s11, $0xb8;
	[tilespmem:$0x12140] =	vst v63  }
0x30: {  	s21 =	simm.s32 $0x1C0;
	s22 =	simm.s32 $0xE200;
	s23 =	simm.s32 $0x2  }
0x31: {  	[tilespmem:s22], [sflag:$0x9] =	stream.indirect.gather [spmem:s2], $0x80, s21, s11, $0xb8;
	[tilespmem:$0x12140] =	vst v63  }
0x32: {  	_ =	swait.ge [sflag:s23], $0x2000  }
0x33: {  	[sflag:s23] =	ssyncset.done $0x0  }
0x34: {  	s24 =	simm.s32 $0x3;
	[sflag:s23] =	ssyncadd.s32 $0xFFFFE000  }
0x35: {  	[hbm4b:s4+s3] =	stream.linear.scatter [tilespmem:s12], [sflag:$0xA], $0x2000, $0x38;
	[tilespmem:$0x12140] =	vst v63  }
0x36: {  	_ =	swait.ge [sflag:s24], $0x2000  }
0x37: {  	[sflag:s24] =	ssyncset.done $0x0  }
0x38: {  	s25 =	rddreg [dreg:$0x6];
	[sflag:s24] =	ssyncadd.s32 $0xFFFFE000  }
0x39: {  	[hbm4b:s25+s3] =	stream.linear.scatter [tilespmem:s13], [sflag:$0xA], $0x2000, $0x38;
	[tilespmem:$0x12140] =	vst v63  }
0x3a: {  	s25 =	simm.s32 $0x4  }
0x3b: {  	_ =	swait.ge [sflag:s25], $0x2000  }
0x3c: {  	[sflag:s25] =	ssyncset.done $0x0  }
0x3d: {  	s26 =	rddreg [dreg:$0x7];
	[sflag:s25] =	ssyncadd.s32 $0xFFFFE000  }
0x3e: {  	[hbm4b:s26+s3] =	stream.linear.scatter [tilespmem:s14], [sflag:$0xA], $0x2000, $0x38;
	[tilespmem:$0x12140] =	vst v63  }
0x3f: {  	s26 =	simm.s32 $0x5  }
0x40: {  	_ =	swait.ge [sflag:s26], $0x2000  }
0x41: {  	[sflag:s26] =	ssyncset.done $0x0  }
0x42: {  	s28 =	simm.s32 $0x6;
	s6 =	rddreg [dreg:$0x8];
	[sflag:s26] =	ssyncadd.s32 $0xFFFFE000  }
0x43: {  	[hbm4b:s6+s3] =	stream.linear.scatter [tilespmem:s15], [sflag:$0xA], $0x2000, $0x38;
	[tilespmem:$0x12140] =	vst v63  }
0x44: {  	_ =	swait.ge [sflag:s28], $0x2000  }
0x45: {  	[sflag:s28] =	ssyncset.done $0x0  }
0x46: {  	s29 =	simm.s32 $0x7;
	s8 =	rddreg [dreg:$0x9];
	[sflag:s28] =	ssyncadd.s32 $0xFFFFE000  }
0x47: {  	[hbm4b:s8+s3] =	stream.linear.scatter [tilespmem:s16], [sflag:$0xA], $0x2000, $0x38;
	[tilespmem:$0x12140] =	vst v63  }
0x48: {  	_ =	swait.ge [sflag:s29], $0x2000  }
0x49: {  	[sflag:s29] =	ssyncset.done $0x0  }
0x4a: {  	s30 =	simm.s32 $0x8;
	s17 =	rddreg [dreg:$0xa];
	[sflag:s29] =	ssyncadd.s32 $0xFFFFE000  }
0x4b: {  	[hbm4b:s17+s3] =	stream.linear.scatter [tilespmem:s18], [sflag:$0xA], $0x2000, $0x38;
	[tilespmem:$0x12140] =	vst v63  }
0x4c: {  	_ =	swait.ge [sflag:s30], $0x2000  }
0x4d: {  	[sflag:s30] =	ssyncset.done $0x0  }
0x4e: {  	s31 =	simm.s32 $0x9;
	s6 =	rddreg [dreg:$0xb];
	[sflag:s30] =	ssyncadd.s32 $0xFFFFE000  }
0x4f: {  	[hbm4b:s6+s3] =	stream.linear.scatter [tilespmem:s20], [sflag:$0xA], $0x2000, $0x38;
	[tilespmem:$0x12140] =	vst v63  }
0x50: {  	_ =	swait.ge [sflag:s31], $0x2000  }
0x51: {  	[sflag:s31] =	ssyncset.done $0x0  }
0x52: {  	s0 =	simm.s32 $0xA;
	s8 =	rddreg [dreg:$0xc];
	[sflag:s31] =	ssyncadd.s32 $0xFFFFE000  }
0x53: {  	[hbm4b:s8+s3] =	stream.linear.scatter [tilespmem:s22], [sflag:$0xA], $0x2000, $0x38;
	[tilespmem:$0x12140] =	vst v63  }
0x54: {  	_ =	swait.ge [sflag:s0], $0x2000  }
0x55: {  	[sflag:s0] =	ssyncset.done $0x0  }
0x56: {  	[sflag:s0] =	ssyncadd.s32 $0xFFFFE000  }
0x57: {  	_ =	swait.ge [sflag:s0], $0x2000  }
0x58: {  	[sflag:s0] =	ssyncset.done $0x0  }
0x59: {  	[sflag:s0] =	ssyncadd.s32 $0xFFFFE000  }
0x5a: {  	_ =	swait.ge [sflag:s0], $0x2000  }
0x5b: {  	[sflag:s0] =	ssyncset.done $0x0  }
0x5c: {  	[sflag:s0] =	ssyncadd.s32 $0xFFFFE000  }
0x5d: {  	s17 =	ssub.s32 $0x2, s1;
	_ =	swait.ge [sflag:s0], $0x2000  }
0x5e: {  	s1 =	sshrl.u32 s17, $0x1;
	[sflag:s0] =	ssyncset.done $0x0  }
0x5f: {  	s1 =	ssub.s32 s17, s1;
	[sflag:s0] =	ssyncadd.s32 $0xFFFFE000  }
0x60: {  	s1 =	smax.u32 s1, $0x1;
	_ =	swait.ge [sflag:s0], $0x2000  }
0x61: {  	s1 =	sadd.s32 $0xFFFFFFFF, s1;
	[sflag:s0] =	ssyncset.done $0x0  }
0x62: {  	p1 =	sne.s32 s1, $0x0;
	[sflag:s0] =	ssyncadd.s32 $0xFFFFE000  }
.Ltmp0:
0x63: {  	_ =	swait.ge [sflag:s0], $0x2000;
	(pc) =	sbr.rel @!p1 .LBB2_2-.Ltmp0, $4  }
0x64: {  	[sflag:s0] =	ssyncset.done $0x0  }
0x65: {  	[sflag:s0] =	ssyncadd.s32 $0xFFFFE000  }
0x66: {  	_ =	swait.ge [sflag:s0], $0x2000  }
0x67: {  	[sflag:s0] =	ssyncset.done $0x0  }
.LBB2_1:
0x68: {  	[sflag:s0] =	ssyncadd.s32 $0xFFFFE000  }
0x69: {  	_ =	swait.ge [sflag:s0], $0x2000  }
0x6a: {  	[sflag:s0] =	ssyncset.done $0x0  }
0x6b: {  	s6 =	simm.s32 @p0 $0x0;
	[sflag:s0] =	ssyncadd.s32 $0xFFFFE000  }
0x6c: {  	[tilespmem:s6], [sflag:$0xB] =	stream.linear.gather @p0 [hbm4b:s5+s6], $0x200, $0x38;
	[tilespmem:$0x12140] =	vst v63  }
0x6d: {  	_ =	swait.ge @p0 [sflag:s7], $0x200  }
0x6e: {  	s6 =	rddreg [dreg:$0xe]  }
0x6f: {  	[sflag:s7] =	ssyncset.done @p0 $0x0;
	s8 =	rddreg [dreg:$0x5]  }
0x70: {  	s17 =	rddreg [dreg:$0xd];
	[sflag:s7] =	ssyncadd.s32 @p0 $0xFFFFFE00  }
0x71: {  	[spmem:s6], [sflag:s17] =	dma.local @!p0 [hbm:s8], $0xC80  }
0x72: {  	s6 =	simm.s32 @!p0 $0x0  }
0x73: {  	[tilespmem:s6], [sflag:$0xB] =	stream.linear.gather @!p0 [hbm4b:s5+s6], $0x200, $0x38;
	[tilespmem:$0x12140] =	vst v63  }
0x74: {  	_ =	swait.ge @!p0 [sflag:s9], $0x200  }
0x75: {  	[sflag:s9] =	ssyncset.done @!p0 $0x0  }
0x76: {  	[sflag:s9] =	ssyncadd.s32 @!p0 $0xFFFFFE00  }
0x77: {  	_ =	swait.ge @!p0 [sflag:s10], $0xC80  }
0x78: {  	[sflag:s10] =	ssyncset.done @!p0 $0x0  }
0x79: {  	[sflag:s10] =	ssyncadd.s32 @!p0 $0xFFFFF380  }
0x7a: {  	[bflag:$0x0] =	sbarrier.arrive $0xFFFF  }
0x7b: {  	[tilespmem:s12], [sflag:$0x2] =	stream.indirect.gather [spmem:s2], $0x80, s3, s11, $0xb8;
	[tilespmem:$0x12140] =	vst v63  }
0x7c: {  	_ = 	snop  }
0x7d: {  	[tilespmem:s13], [sflag:$0x3] =	stream.indirect.gather [spmem:s2], $0x80, s11, s11, $0xb8;
	[tilespmem:$0x12140] =	vst v63  }
0x7e: {  	s17 =	rddreg [dreg:$0xf]  }
0x7f: {  	[tilespmem:s14], [sflag:$0x4] =	stream.indirect.gather [spmem:s2], $0x80, s17, s11, $0xb8;
	[tilespmem:$0x12140] =	vst v63  }
0x80: {  	s8 =	rddreg [dreg:$0x10]  }
0x81: {  	[tilespmem:s15], [sflag:$0x5] =	stream.indirect.gather [spmem:s2], $0x80, s8, s11, $0xb8;
	[tilespmem:$0x12140] =	vst v63  }
0x82: {  	s17 =	rddreg [dreg:$0x11]  }
0x83: {  	[tilespmem:s16], [sflag:$0x6] =	stream.indirect.gather [spmem:s2], $0x80, s17, s11, $0xb8;
	[tilespmem:$0x12140] =	vst v63  }
0x84: {  	s8 =	simm.s32 $0x140  }
0x85: {  	[tilespmem:s18], [sflag:$0x7] =	stream.indirect.gather [spmem:s2], $0x80, s8, s11, $0xb8;
	[tilespmem:$0x12140] =	vst v63  }
0x86: {  	_ = 	snop  }
0x87: {  	[tilespmem:s20], [sflag:$0x8] =	stream.indirect.gather [spmem:s2], $0x80, s19, s11, $0xb8;
	[tilespmem:$0x12140] =	vst v63  }
0x88: {  	_ = 	snop  }
0x89: {  	[tilespmem:s22], [sflag:$0x9] =	stream.indirect.gather [spmem:s2], $0x80, s21, s11, $0xb8;
	[tilespmem:$0x12140] =	vst v63  }
0x8a: {  	_ =	swait.ge [sflag:s23], $0x2000  }
0x8b: {  	[sflag:s23] =	ssyncset.done $0x0  }
0x8c: {  	[sflag:s23] =	ssyncadd.s32 $0xFFFFE000  }
0x8d: {  	[hbm4b:s4+s3] =	stream.linear.scatter [tilespmem:s12], [sflag:$0xA], $0x2000, $0x38;
	[tilespmem:$0x12140] =	vst v63  }
0x8e: {  	_ =	swait.ge [sflag:s24], $0x2000  }
0x8f: {  	[sflag:s24] =	ssyncset.done $0x0  }
0x90: {  	s17 =	rddreg [dreg:$0x6];
	[sflag:s24] =	ssyncadd.s32 $0xFFFFE000  }
0x91: {  	[hbm4b:s17+s3] =	stream.linear.scatter [tilespmem:s13], [sflag:$0xA], $0x2000, $0x38;
	[tilespmem:$0x12140] =	vst v63  }
0x92: {  	_ =	swait.ge [sflag:s25], $0x2000  }
0x93: {  	[sflag:s25] =	ssyncset.done $0x0  }
0x94: {  	s8 =	rddreg [dreg:$0x7];
	[sflag:s25] =	ssyncadd.s32 $0xFFFFE000  }
0x95: {  	[hbm4b:s8+s3] =	stream.linear.scatter [tilespmem:s14], [sflag:$0xA], $0x2000, $0x38;
	[tilespmem:$0x12140] =	vst v63  }
0x96: {  	_ =	swait.ge [sflag:s26], $0x2000  }
0x97: {  	[sflag:s26] =	ssyncset.done $0x0  }
0x98: {  	s17 =	rddreg [dreg:$0x8];
	[sflag:s26] =	ssyncadd.s32 $0xFFFFE000  }
0x99: {  	[hbm4b:s17+s3] =	stream.linear.scatter [tilespmem:s15], [sflag:$0xA], $0x2000, $0x38;
	[tilespmem:$0x12140] =	vst v63  }
0x9a: {  	_ =	swait.ge [sflag:s28], $0x2000  }
0x9b: {  	[sflag:s28] =	ssyncset.done $0x0  }
0x9c: {  	s8 =	rddreg [dreg:$0x9];
	[sflag:s28] =	ssyncadd.s32 $0xFFFFE000  }
0x9d: {  	[hbm4b:s8+s3] =	stream.linear.scatter [tilespmem:s16], [sflag:$0xA], $0x2000, $0x38;
	[tilespmem:$0x12140] =	vst v63  }
0x9e: {  	_ =	swait.ge [sflag:s29], $0x2000  }
0x9f: {  	[sflag:s29] =	ssyncset.done $0x0  }
0xa0: {  	s17 =	rddreg [dreg:$0xa];
	[sflag:s29] =	ssyncadd.s32 $0xFFFFE000  }
0xa1: {  	[hbm4b:s17+s3] =	stream.linear.scatter [tilespmem:s18], [sflag:$0xA], $0x2000, $0x38;
	[tilespmem:$0x12140] =	vst v63  }
0xa2: {  	_ =	swait.ge [sflag:s30], $0x2000  }
0xa3: {  	[sflag:s30] =	ssyncset.done $0x0  }
0xa4: {  	s8 =	rddreg [dreg:$0xb];
	[sflag:s30] =	ssyncadd.s32 $0xFFFFE000  }
0xa5: {  	[hbm4b:s8+s3] =	stream.linear.scatter [tilespmem:s20], [sflag:$0xA], $0x2000, $0x38;
	[tilespmem:$0x12140] =	vst v63  }
0xa6: {  	_ =	swait.ge [sflag:s31], $0x2000  }
0xa7: {  	[sflag:s31] =	ssyncset.done $0x0  }
0xa8: {  	s17 =	rddreg [dreg:$0xc];
	[sflag:s31] =	ssyncadd.s32 $0xFFFFE000  }
0xa9: {  	[hbm4b:s17+s3] =	stream.linear.scatter [tilespmem:s22], [sflag:$0xA], $0x2000, $0x38;
	[tilespmem:$0x12140] =	vst v63  }
0xaa: {  	_ =	swait.ge [sflag:s0], $0x2000  }
0xab: {  	[sflag:s0] =	ssyncset.done $0x0  }
0xac: {  	[sflag:s0] =	ssyncadd.s32 $0xFFFFE000  }
0xad: {  	_ =	swait.ge [sflag:s0], $0x2000  }
0xae: {  	[sflag:s0] =	ssyncset.done $0x0  }
0xaf: {  	[sflag:s0] =	ssyncadd.s32 $0xFFFFE000  }
0xb0: {  	_ =	swait.ge [sflag:s0], $0x2000  }
0xb1: {  	[sflag:s0] =	ssyncset.done $0x0  }
0xb2: {  	[sflag:s0] =	ssyncadd.s32 $0xFFFFE000  }
0xb3: {  	_ =	swait.ge [sflag:s0], $0x2000  }
0xb4: {  	[sflag:s0] =	ssyncset.done $0x0  }
0xb5: {  	[sflag:s0] =	ssyncadd.s32 $0xFFFFE000  }
0xb6: {  	_ =	swait.ge [sflag:s0], $0x2000  }
0xb7: {  	s1 =	sadd.s32 $0xFFFFFFFF, s1;
	[sflag:s0] =	ssyncset.done $0x0  }
0xb8: {  	p1 =	sne.s32 s1, $0x0;
	[sflag:s0] =	ssyncadd.s32 $0xFFFFE000  }
.Ltmp1:
0xb9: {  	_ =	swait.ge [sflag:s0], $0x2000;
	(pc) =	sbr.rel @p1 .LBB2_1-.Ltmp1, $4  }
0xba: {  	[sflag:s0] =	ssyncset.done $0x0  }
0xbb: {  	[sflag:s0] =	ssyncadd.s32 $0xFFFFE000  }
0xbc: {  	_ =	swait.ge [sflag:s0], $0x2000  }
0xbd: {  	[sflag:s0] =	ssyncset.done $0x0  }
.LBB2_2:
0xbe: {  	[sflag:s0] =	ssyncadd.s32 $0xFFFFE000  }
0xbf: {  	_ =	swait.ge [sflag:s0], $0x2000  }
0xc0: {  	[sflag:s0] =	ssyncset.done $0x0  }
0xc1: {  	[sflag:s0] =	ssyncadd.s32 $0xFFFFE000  }
0xc2: {  	_ =	sfence.sel $0x180000  }
0xc3: {  	[bflag:$0x0] =	sbarrier.arrive $0xFFFF  }
0xc4: {  	_ =	strace $0x90000047  }
0xc5: {  	s31 =	stileid.u32;
	[bflag:$0x2] =	sbarrier.arrive $0xFFFF  }
0xc6: {  	p0 =	sne.s32 s31, $0x0;
	s0 =	rddreg [dreg:$0x4]  }
0xc7: {  	s0 =	sadd.s32 @!p0 $0x100000, s0  }
0xc8: {  	[sflag:s0] =	ssyncadd.tile.s32 @!p0 $0x1;
	_ =	shalt  }
.Lfunc_end2:
_tile_overlayer_lowered:
.L_overlay_start_2:
0xc9: {  	(tag) =	ssettag $0x2  }
0xca: {  	s0 =	rddreg [dreg:$0x0];
	s2 =	stileid.u32  }
0xcb: {  	s1 =	rddreg [dreg:$0x1];
	p0 =	sne.s32 s2, $0x0  }
0xcc: {  	s3 =	rddreg [dreg:$0x2];
	[bflag:$0x3] =	sbarrier.arrive $0xFFFF;
	s2 =	simm.s32 @!p0 $0x1C0B  }
0xcd: {  	[timem:s3], [sflag:s2] =	dma.local @!p0 [hbm:s0], s1  }
0xce: {  	s0 =	simm.s32 @!p0 $0xB  }
0xcf: {  	_ =	swait.ge @!p0 [sflag:s0], s1  }
0xd0: {  	s1 =	ssub.s32 @!p0 $0x0, s1;
	[sflag:s0] =	ssyncset.done @!p0 $0x0  }
0xd1: {  	[sflag:s0] =	ssyncadd.s32 @!p0 s1  }
0xd2: {  	[bflag:$0x3] =	sbarrier.arrive $0xFFFF  }
0xd3: {  	_ =	shalt  }

</sc_bundles>
